<compile_context>
chip_gen: v7x
topology: tpu7x:2x2x1
jax: 0.10.2.dev20260603
libtpu: 0.0.44.dev20260713+nightly
codegen_flags: <defaults>
</compile_context>

<pallas_src>
import functools

import jax
import jax.numpy as jnp
from jax import lax
from jax.experimental import pallas as pl
from jax.experimental.pallas import tpu as pltpu
from jax.experimental.pallas import tpu_sc as plsc

N = 10000
D = 128
E = 320000

BLK = 400
NT = 10400
CH = 128
NCH = 157
EPT = CH * NCH
EP = 16 * EPT
RPT = 640
CPR = 160
ACC_N = 16 * RPT


def _prologue_body(x_ref, pos_ref, win_ref, wsrc_ref, wlin_ref, wpos_ref,
                   bin_ref, bpos_ref, table_ref, q_ref):
    h = jax.nn.relu(
        jnp.dot(x_ref[...], win_ref[...], preferred_element_type=jnp.float32)
        + bin_ref[...])
    p = jnp.dot(pos_ref[...], wpos_ref[...], preferred_element_type=jnp.float32)
    b = jnp.dot(h, wsrc_ref[...], preferred_element_type=jnp.float32) + p
    c = jnp.dot(h, wlin_ref[...], preferred_element_type=jnp.float32) - p
    g = jnp.exp(-b)
    table_ref[...] = jnp.concatenate([g, g * c], axis=1).reshape(BLK, 2 * D)
    q_ref[...] = p + bpos_ref[...]


def _epilogue_body(t0_ref, t1_ref, q_ref, wout_ref, bout_ref, o_ref):
    t0 = t0_ref[...]
    agg = (t1_ref[...] + q_ref[...] * t0) / (t0 + 1e-16)
    o_ref[...] = jax.nn.relu(
        jnp.dot(agg, wout_ref[...], preferred_element_type=jnp.float32)
        + bout_ref[...])


def _sc_edge_body(table_hbm, src_hbm, dst_hbm, zeros_hbm, out_hbm,
                  sidx, gidx, didx, rows, buf, acc, sem):
    cid = lax.axis_index("c")
    sid = lax.axis_index("s")

    pltpu.sync_copy(zeros_hbm, buf)
    for k in range(RPT // CPR):
        pltpu.sync_copy(buf, acc.at[pl.ds(sid * RPT + k * CPR, CPR)])
    plsc.subcore_barrier()

    def body(i, carry):
        base = sid * EPT + i * CH
        pltpu.sync_copy(src_hbm.at[pl.ds(base, CH)], sidx)
        pltpu.sync_copy(dst_hbm.at[pl.ds(base, CH)], didx)
        for j in range(CH // 16):
            s = sidx[pl.ds(j * 16, 16)]
            gidx[pl.ds(j * 16, 16)] = s * 2 + cid
        pltpu.async_copy(table_hbm.at[gidx], rows, sem).wait()
        pltpu.sync_copy(rows, acc.at[didx], add=True)
        return carry

    lax.fori_loop(0, NCH, body, 0)
    plsc.subcore_barrier()

    for k in range(RPT // CPR):
        pltpu.sync_copy(acc.at[pl.ds(sid * RPT + k * CPR, CPR)], buf)
        pltpu.sync_copy(buf, out_hbm.at[pl.ds(cid * ACC_N + sid * RPT + k * CPR, CPR)])


@functools.partial(
    pl.kernel,
    out_type=jax.ShapeDtypeStruct((2 * ACC_N, D), jnp.float32),
    mesh=plsc.VectorSubcoreMesh(core_axis_name="c", subcore_axis_name="s"),
    scratch_types=[
        pltpu.VMEM((CH,), jnp.int32),
        pltpu.VMEM((CH,), jnp.int32),
        pltpu.VMEM((CH,), jnp.int32),
        pltpu.VMEM((CH, D), jnp.float32),
        pltpu.VMEM((CPR, D), jnp.float32),
        pltpu.VMEM_SHARED((ACC_N, D), jnp.float32),
        pltpu.SemaphoreType.DMA,
    ],
)
def _sc_edge_kernel(table_hbm, src_hbm, dst_hbm, zeros_hbm, out_hbm,
                    sidx, gidx, didx, rows, buf, acc, sem):
    _sc_edge_body(table_hbm, src_hbm, dst_hbm, zeros_hbm, out_hbm,
                  sidx, gidx, didx, rows, buf, acc, sem)


def kernel(x, edge_index, pos, W_in, b_in, W_lin, W_src, W_dst, W_pos, b_pos,
           W_out, b_out):
    del W_dst

    xp = jnp.pad(x, ((0, NT - N), (0, 0)))
    posp = jnp.pad(pos, ((0, NT - N), (0, 8 - pos.shape[1])))
    win_t = W_in.T
    wsrc_t = W_src.T
    wlin_t = W_lin.T
    wpos_t = jnp.pad(W_pos.T, ((0, 8 - W_pos.shape[1]), (0, 0)))
    bin2 = b_in.reshape(1, D)
    bpos2 = b_pos.reshape(1, D)

    grid_pro = NT // BLK
    table, q = pl.pallas_call(
        _prologue_body,
        grid=(grid_pro,),
        in_specs=[
            pl.BlockSpec((BLK, D), lambda i: (i, 0)),
            pl.BlockSpec((BLK, 8), lambda i: (i, 0)),
            pl.BlockSpec((D, D), lambda i: (0, 0)),
            pl.BlockSpec((D, D), lambda i: (0, 0)),
            pl.BlockSpec((D, D), lambda i: (0, 0)),
            pl.BlockSpec((8, D), lambda i: (0, 0)),
            pl.BlockSpec((1, D), lambda i: (0, 0)),
            pl.BlockSpec((1, D), lambda i: (0, 0)),
        ],
        out_specs=[
            pl.BlockSpec((BLK, 2 * D), lambda i: (i, 0)),
            pl.BlockSpec((BLK, D), lambda i: (i, 0)),
        ],
        out_shape=[
            jax.ShapeDtypeStruct((NT, 2 * D), jnp.float32),
            jax.ShapeDtypeStruct((NT, D), jnp.float32),
        ],
    )(xp, posp, win_t, wsrc_t, wlin_t, wpos_t, bin2, bpos2)

    table2 = table.reshape(2 * NT, D)

    src = edge_index[0].astype(jnp.int32)
    dst = edge_index[1].astype(jnp.int32)
    srcp = jnp.pad(src, (0, EP - E))
    junk = N + jnp.arange(EP - E, dtype=jnp.int32) % (ACC_N - N)
    dstp = jnp.concatenate([dst, junk])
    zeros = jnp.zeros((CPR, D), jnp.float32)

    sc_out = _sc_edge_kernel(table2, srcp, dstp, zeros)

    t0 = sc_out[0:N]
    t1 = sc_out[ACC_N:ACC_N + N]
    qn = q[0:N]

    grid_epi = N // BLK
    out = pl.pallas_call(
        _epilogue_body,
        grid=(grid_epi,),
        in_specs=[
            pl.BlockSpec((BLK, D), lambda i: (i, 0)),
            pl.BlockSpec((BLK, D), lambda i: (i, 0)),
            pl.BlockSpec((BLK, D), lambda i: (i, 0)),
            pl.BlockSpec((D, D), lambda i: (0, 0)),
            pl.BlockSpec((1, D), lambda i: (0, 0)),
        ],
        out_specs=pl.BlockSpec((BLK, D), lambda i: (i, 0)),
        out_shape=jax.ShapeDtypeStruct((N, D), jnp.float32),
    )(t0, t1, qn, W_out.T, b_out.reshape(1, D))

    return out

# --- scband reference (transcript-rebuilt; emitter-appended) ---
"""Pipeline reference for scband-transformer-block-28441273434139 (READ-ONLY COPY).

The authoritative reference and input builder live on the scoring server;
editing this copy changes nothing except your own understanding.
"""

import jax, jax.numpy as jnp
import numpy as np

N = 10000
E = 320000
D = 128
POS_DIM = 3


def setup_inputs(seed: int = 0) -> dict:
    key = jax.random.key(seed)
    ks = jax.random.split(key, 12)
    x = jax.random.normal(ks[0], (N, D), dtype=jnp.float32)
    edge_index = jax.random.randint(ks[1], (2, E), 0, N, dtype=jnp.int64)
    pos = jax.random.normal(ks[2], (N, POS_DIM), dtype=jnp.float32)
    s = 1.0 / np.sqrt(D)
    W_in = jax.random.normal(ks[3], (D, D), dtype=jnp.float32) * s
    b_in = jax.random.normal(ks[4], (D,), dtype=jnp.float32) * 0.01
    W_lin = jax.random.normal(ks[5], (D, D), dtype=jnp.float32) * s
    W_src = jax.random.normal(ks[6], (D, D), dtype=jnp.float32) * s
    W_dst = jax.random.normal(ks[7], (D, D), dtype=jnp.float32) * s
    W_pos = jax.random.normal(ks[8], (D, POS_DIM), dtype=jnp.float32) * (1.0 / np.sqrt(POS_DIM))
    b_pos = jax.random.normal(ks[9], (D,), dtype=jnp.float32) * 0.01
    W_out = jax.random.normal(ks[10], (D, D), dtype=jnp.float32) * s
    b_out = jax.random.normal(ks[11], (D,), dtype=jnp.float32) * 0.01
    return {"x": x, "edge_index": edge_index, "pos": pos,
            "W_in": W_in, "b_in": b_in, "W_lin": W_lin, "W_src": W_src,
            "W_dst": W_dst, "W_pos": W_pos, "b_pos": b_pos,
            "W_out": W_out, "b_out": b_out}


def _segment_softmax(alpha, dst, num_segments):
    amax = jax.ops.segment_max(alpha, dst, num_segments=num_segments)
    amax = jnp.where(jnp.isfinite(amax), amax, 0.0)
    ex = jnp.exp(alpha - amax[dst])
    denom = jax.ops.segment_sum(ex, dst, num_segments=num_segments)
    return ex / (denom[dst] + 1e-16)


def reference(x, edge_index, pos, W_in, b_in, W_lin, W_src, W_dst, W_pos, b_pos, W_out, b_out):
    # lin_in + relu
    h = jax.nn.relu(x @ W_in.T + b_in)
    # PointTransformerConv
    alpha_src = h @ W_src.T      # lin_src(x)
    alpha_dst = h @ W_dst.T      # lin_dst(x)
    xt = h @ W_lin.T             # lin(x)
    src = edge_index[0]
    dst = edge_index[1]
    # message: delta = pos_nn(pos_i - pos_j), i = dst, j = src
    delta = (pos[dst] - pos[src]) @ W_pos.T + b_pos          # [E, D]
    alpha = alpha_dst[dst] - alpha_src[src] + delta          # alpha_i - alpha_j + delta
    alpha = _segment_softmax(alpha, dst, N)
    msg = alpha * (xt[src] + delta)                          # [E, D]
    out = jax.ops.segment_sum(msg, dst, num_segments=N)      # aggr='add'
    # lin_out + relu
    out = jax.nn.relu(out @ W_out.T + b_out)
    return out

if __name__ == "__main__":
    import jax
    _d = setup_inputs()
    print(jax.jit(kernel)(*tuple(_d.values())))

</pallas_src>

<mosaic_0001>
#map = affine_map<(d0, d1) -> (0, 0)>
#map1 = affine_map<(d0, d1) -> (0)>
module attributes {stable_mosaic.version = 14 : i64} {
  func.func @_sc_edge_kernel(%arg0: i32, %arg1: i32, %arg2: memref<20800x128xf32, #tpu.memory_space<hbm>>, %arg3: memref<321536xi32, #tpu.memory_space<hbm>>, %arg4: memref<321536xi32, #tpu.memory_space<hbm>>, %arg5: memref<160x128xf32, #tpu.memory_space<hbm>>, %arg6: memref<20480x128xf32, #tpu.memory_space<hbm>>, %arg7: memref<128xi32, #tpu.memory_space<vmem>>, %arg8: memref<128xi32, #tpu.memory_space<vmem>>, %arg9: memref<128xi32, #tpu.memory_space<vmem>>, %arg10: memref<128x128xf32, #tpu.memory_space<vmem>>, %arg11: memref<160x128xf32, #tpu.memory_space<vmem>>, %arg12: memref<10240x128xf32, #tpu.memory_space<vmem_shared>>, %arg13: memref<!tpu.dma_semaphore, #tpu.memory_space<semaphore_mem>>) attributes {dimension_semantics = [#tpu.dimension_semantics<core_parallel>, #tpu.dimension_semantics<subcore_parallel>], iteration_bounds = array<i64: 2, 16>, scalar_prefetch = 0 : i64, scratch_operands = 7 : i64, tpu.core_type = #tpu.core_type<sc_vector_subcore>, window_params = [{transform_indices = #map}, {transform_indices = #map1}, {transform_indices = #map1}, {transform_indices = #map}, {transform_indices = #map}]} {
    "tpu.region"() ({
      %run_scoped3A = tpu.sem_alloc : memref<!tpu.dma_semaphore, #tpu.memory_space<semaphore_mem>>
      tpu.enqueue_dma source(%arg5 : memref<160x128xf32, #tpu.memory_space<hbm>>) target(%arg11 : memref<160x128xf32, #tpu.memory_space<vmem>>) target_semaphore(%run_scoped3A : memref<!tpu.dma_semaphore, #tpu.memory_space<semaphore_mem>>)
      tpu.wait_dma2 semaphore(%run_scoped3A : memref<!tpu.dma_semaphore, #tpu.memory_space<semaphore_mem>>) src(%arg5 : memref<160x128xf32, #tpu.memory_space<hbm>>) dst(%arg11 : memref<160x128xf32, #tpu.memory_space<vmem>>)
      tpu.yield
    }) : () -> ()
    %mul3A = arith.constant 640 : i32
    %mul3A_0 = arith.muli %arg1, %mul3A : i32
    %add3A = arith.constant 0 : i32
    %add3A_1 = arith.addi %mul3A_0, %add3A : i32
    "tpu.region"() ({
      %run_scoped3A = tpu.sem_alloc : memref<!tpu.dma_semaphore, #tpu.memory_space<semaphore_mem>>
      %dma_start3A = arith.constant 0 : i32
      %dma_start3A_64 = tpu.memref_slice %arg12[%add3A_1, %dma_start3A] : memref<10240x128xf32, #tpu.memory_space<vmem_shared>> -> memref<160x128xf32, #tpu.memory_space<vmem_shared>>
      %dma_start3A_65 = arith.constant 0 : i32
      %dma_start3A_66 = tpu.memref_slice %arg12[%add3A_1, %dma_start3A_65] : memref<10240x128xf32, #tpu.memory_space<vmem_shared>> -> memref<160x128xf32, #tpu.memory_space<vmem_shared>>
      tpu.enqueue_dma source(%arg11 : memref<160x128xf32, #tpu.memory_space<vmem>>) target(%dma_start3A_66 : memref<160x128xf32, #tpu.memory_space<vmem_shared>>) target_semaphore(%run_scoped3A : memref<!tpu.dma_semaphore, #tpu.memory_space<semaphore_mem>>)
      %dma_wait3A = arith.constant 0 : i32
      %dma_wait3A_67 = tpu.memref_slice %arg12[%add3A_1, %dma_wait3A] : memref<10240x128xf32, #tpu.memory_space<vmem_shared>> -> memref<160x128xf32, #tpu.memory_space<vmem_shared>>
      %dma_wait3A_68 = arith.constant 0 : i32
      %dma_wait3A_69 = tpu.memref_slice %arg12[%add3A_1, %dma_wait3A_68] : memref<10240x128xf32, #tpu.memory_space<vmem_shared>> -> memref<160x128xf32, #tpu.memory_space<vmem_shared>>
      tpu.wait_dma2 semaphore(%run_scoped3A : memref<!tpu.dma_semaphore, #tpu.memory_space<semaphore_mem>>) src(%arg11 : memref<160x128xf32, #tpu.memory_space<vmem>>) dst(%dma_wait3A_69 : memref<160x128xf32, #tpu.memory_space<vmem_shared>>)
      tpu.yield
    }) : () -> ()
    %mul3A_2 = arith.constant 640 : i32
    %mul3A_3 = arith.muli %arg1, %mul3A_2 : i32
    %add3A_4 = arith.constant 160 : i32
    %add3A_5 = arith.addi %mul3A_3, %add3A_4 : i32
    "tpu.region"() ({
      %run_scoped3A = tpu.sem_alloc : memref<!tpu.dma_semaphore, #tpu.memory_space<semaphore_mem>>
      %dma_start3A = arith.constant 0 : i32
      %dma_start3A_64 = tpu.memref_slice %arg12[%add3A_5, %dma_start3A] : memref<10240x128xf32, #tpu.memory_space<vmem_shared>> -> memref<160x128xf32, #tpu.memory_space<vmem_shared>>
      %dma_start3A_65 = arith.constant 0 : i32
      %dma_start3A_66 = tpu.memref_slice %arg12[%add3A_5, %dma_start3A_65] : memref<10240x128xf32, #tpu.memory_space<vmem_shared>> -> memref<160x128xf32, #tpu.memory_space<vmem_shared>>
      tpu.enqueue_dma source(%arg11 : memref<160x128xf32, #tpu.memory_space<vmem>>) target(%dma_start3A_66 : memref<160x128xf32, #tpu.memory_space<vmem_shared>>) target_semaphore(%run_scoped3A : memref<!tpu.dma_semaphore, #tpu.memory_space<semaphore_mem>>)
      %dma_wait3A = arith.constant 0 : i32
      %dma_wait3A_67 = tpu.memref_slice %arg12[%add3A_5, %dma_wait3A] : memref<10240x128xf32, #tpu.memory_space<vmem_shared>> -> memref<160x128xf32, #tpu.memory_space<vmem_shared>>
      %dma_wait3A_68 = arith.constant 0 : i32
      %dma_wait3A_69 = tpu.memref_slice %arg12[%add3A_5, %dma_wait3A_68] : memref<10240x128xf32, #tpu.memory_space<vmem_shared>> -> memref<160x128xf32, #tpu.memory_space<vmem_shared>>
      tpu.wait_dma2 semaphore(%run_scoped3A : memref<!tpu.dma_semaphore, #tpu.memory_space<semaphore_mem>>) src(%arg11 : memref<160x128xf32, #tpu.memory_space<vmem>>) dst(%dma_wait3A_69 : memref<160x128xf32, #tpu.memory_space<vmem_shared>>)
      tpu.yield
    }) : () -> ()
    %mul3A_6 = arith.constant 640 : i32
    %mul3A_7 = arith.muli %arg1, %mul3A_6 : i32
    %add3A_8 = arith.constant 320 : i32
    %add3A_9 = arith.addi %mul3A_7, %add3A_8 : i32
    "tpu.region"() ({
      %run_scoped3A = tpu.sem_alloc : memref<!tpu.dma_semaphore, #tpu.memory_space<semaphore_mem>>
      %dma_start3A = arith.constant 0 : i32
      %dma_start3A_64 = tpu.memref_slice %arg12[%add3A_9, %dma_start3A] : memref<10240x128xf32, #tpu.memory_space<vmem_shared>> -> memref<160x128xf32, #tpu.memory_space<vmem_shared>>
      %dma_start3A_65 = arith.constant 0 : i32
      %dma_start3A_66 = tpu.memref_slice %arg12[%add3A_9, %dma_start3A_65] : memref<10240x128xf32, #tpu.memory_space<vmem_shared>> -> memref<160x128xf32, #tpu.memory_space<vmem_shared>>
      tpu.enqueue_dma source(%arg11 : memref<160x128xf32, #tpu.memory_space<vmem>>) target(%dma_start3A_66 : memref<160x128xf32, #tpu.memory_space<vmem_shared>>) target_semaphore(%run_scoped3A : memref<!tpu.dma_semaphore, #tpu.memory_space<semaphore_mem>>)
      %dma_wait3A = arith.constant 0 : i32
      %dma_wait3A_67 = tpu.memref_slice %arg12[%add3A_9, %dma_wait3A] : memref<10240x128xf32, #tpu.memory_space<vmem_shared>> -> memref<160x128xf32, #tpu.memory_space<vmem_shared>>
      %dma_wait3A_68 = arith.constant 0 : i32
      %dma_wait3A_69 = tpu.memref_slice %arg12[%add3A_9, %dma_wait3A_68] : memref<10240x128xf32, #tpu.memory_space<vmem_shared>> -> memref<160x128xf32, #tpu.memory_space<vmem_shared>>
      tpu.wait_dma2 semaphore(%run_scoped3A : memref<!tpu.dma_semaphore, #tpu.memory_space<semaphore_mem>>) src(%arg11 : memref<160x128xf32, #tpu.memory_space<vmem>>) dst(%dma_wait3A_69 : memref<160x128xf32, #tpu.memory_space<vmem_shared>>)
      tpu.yield
    }) : () -> ()
    %mul3A_10 = arith.constant 640 : i32
    %mul3A_11 = arith.muli %arg1, %mul3A_10 : i32
    %add3A_12 = arith.constant 480 : i32
    %add3A_13 = arith.addi %mul3A_11, %add3A_12 : i32
    "tpu.region"() ({
      %run_scoped3A = tpu.sem_alloc : memref<!tpu.dma_semaphore, #tpu.memory_space<semaphore_mem>>
      %dma_start3A = arith.constant 0 : i32
      %dma_start3A_64 = tpu.memref_slice %arg12[%add3A_13, %dma_start3A] : memref<10240x128xf32, #tpu.memory_space<vmem_shared>> -> memref<160x128xf32, #tpu.memory_space<vmem_shared>>
      %dma_start3A_65 = arith.constant 0 : i32
      %dma_start3A_66 = tpu.memref_slice %arg12[%add3A_13, %dma_start3A_65] : memref<10240x128xf32, #tpu.memory_space<vmem_shared>> -> memref<160x128xf32, #tpu.memory_space<vmem_shared>>
      tpu.enqueue_dma source(%arg11 : memref<160x128xf32, #tpu.memory_space<vmem>>) target(%dma_start3A_66 : memref<160x128xf32, #tpu.memory_space<vmem_shared>>) target_semaphore(%run_scoped3A : memref<!tpu.dma_semaphore, #tpu.memory_space<semaphore_mem>>)
      %dma_wait3A = arith.constant 0 : i32
      %dma_wait3A_67 = tpu.memref_slice %arg12[%add3A_13, %dma_wait3A] : memref<10240x128xf32, #tpu.memory_space<vmem_shared>> -> memref<160x128xf32, #tpu.memory_space<vmem_shared>>
      %dma_wait3A_68 = arith.constant 0 : i32
      %dma_wait3A_69 = tpu.memref_slice %arg12[%add3A_13, %dma_wait3A_68] : memref<10240x128xf32, #tpu.memory_space<vmem_shared>> -> memref<160x128xf32, #tpu.memory_space<vmem_shared>>
      tpu.wait_dma2 semaphore(%run_scoped3A : memref<!tpu.dma_semaphore, #tpu.memory_space<semaphore_mem>>) src(%arg11 : memref<160x128xf32, #tpu.memory_space<vmem>>) dst(%dma_wait3A_69 : memref<160x128xf32, #tpu.memory_space<vmem_shared>>)
      tpu.yield
    }) : () -> ()
    %barrier3A = arith.constant 0 : index
    tpu.barrier barrier_id(%barrier3A)
    %scan3A = arith.constant 0 : i32
    %scan3A_14 = arith.constant 0 : i32
    %scan3A_15 = arith.constant 157 : i32
    %scan3A_16 = arith.addi %scan3A_14, %scan3A_15 : i32
    %scan3A_17 = arith.constant 1 : i32
    scf.for %scan3A_64 = %scan3A_14 to %scan3A_16 step %scan3A_17  : i32 {
      %mul3A_65 = arith.constant 20096 : i32
      %mul3A_66 = arith.muli %arg1, %mul3A_65 : i32
      %mul3A_67 = arith.constant 128 : i32
      %mul3A_68 = arith.muli %scan3A_64, %mul3A_67 : i32
      %add3A_69 = arith.addi %mul3A_66, %mul3A_68 : i32
      "tpu.region"() ({
        %run_scoped3A = tpu.sem_alloc : memref<!tpu.dma_semaphore, #tpu.memory_space<semaphore_mem>>
        %dma_start3A_168 = tpu.memref_slice %arg3[%add3A_69] : memref<321536xi32, #tpu.memory_space<hbm>> -> memref<128xi32, #tpu.memory_space<hbm>>
        %dma_start3A_169 = tpu.memref_slice %arg3[%add3A_69] : memref<321536xi32, #tpu.memory_space<hbm>> -> memref<128xi32, #tpu.memory_space<hbm>>
        tpu.enqueue_dma source(%dma_start3A_169 : memref<128xi32, #tpu.memory_space<hbm>>) target(%arg7 : memref<128xi32, #tpu.memory_space<vmem>>) target_semaphore(%run_scoped3A : memref<!tpu.dma_semaphore, #tpu.memory_space<semaphore_mem>>)
        %dma_wait3A_170 = tpu.memref_slice %arg3[%add3A_69] : memref<321536xi32, #tpu.memory_space<hbm>> -> memref<128xi32, #tpu.memory_space<hbm>>
        %dma_wait3A_171 = tpu.memref_slice %arg3[%add3A_69] : memref<321536xi32, #tpu.memory_space<hbm>> -> memref<128xi32, #tpu.memory_space<hbm>>
        tpu.wait_dma2 semaphore(%run_scoped3A : memref<!tpu.dma_semaphore, #tpu.memory_space<semaphore_mem>>) src(%dma_wait3A_171 : memref<128xi32, #tpu.memory_space<hbm>>) dst(%arg7 : memref<128xi32, #tpu.memory_space<vmem>>)
        tpu.yield
      }) : () -> ()
      "tpu.region"() ({
        %run_scoped3A = tpu.sem_alloc : memref<!tpu.dma_semaphore, #tpu.memory_space<semaphore_mem>>
        %dma_start3A_168 = tpu.memref_slice %arg4[%add3A_69] : memref<321536xi32, #tpu.memory_space<hbm>> -> memref<128xi32, #tpu.memory_space<hbm>>
        %dma_start3A_169 = tpu.memref_slice %arg4[%add3A_69] : memref<321536xi32, #tpu.memory_space<hbm>> -> memref<128xi32, #tpu.memory_space<hbm>>
        tpu.enqueue_dma source(%dma_start3A_169 : memref<128xi32, #tpu.memory_space<hbm>>) target(%arg9 : memref<128xi32, #tpu.memory_space<vmem>>) target_semaphore(%run_scoped3A : memref<!tpu.dma_semaphore, #tpu.memory_space<semaphore_mem>>)
        %dma_wait3A_170 = tpu.memref_slice %arg4[%add3A_69] : memref<321536xi32, #tpu.memory_space<hbm>> -> memref<128xi32, #tpu.memory_space<hbm>>
        %dma_wait3A_171 = tpu.memref_slice %arg4[%add3A_69] : memref<321536xi32, #tpu.memory_space<hbm>> -> memref<128xi32, #tpu.memory_space<hbm>>
        tpu.wait_dma2 semaphore(%run_scoped3A : memref<!tpu.dma_semaphore, #tpu.memory_space<semaphore_mem>>) src(%dma_wait3A_171 : memref<128xi32, #tpu.memory_space<hbm>>) dst(%arg9 : memref<128xi32, #tpu.memory_space<vmem>>)
        tpu.yield
      }) : () -> ()
      %get3A = arith.constant 0 : index
      %get3A_70 = tpu.vector_load %arg7[%get3A] {strides = array<i32>} : memref<128xi32, #tpu.memory_space<vmem>>, vector<16xi32>,
      %get3A_71 = vector.shape_cast %get3A_70 : vector<16xi32> to vector<16xi32>
      %mul3A_72 = arith.constant 2 : i32
      %mul3A_73 = vector.broadcast %mul3A_72 : i32 to vector<16xi32>
      %mul3A_74 = arith.muli %get3A_71, %mul3A_73 : vector<16xi32>
      %add3A_75 = vector.broadcast %arg0 : i32 to vector<16xi32>
      %add3A_76 = arith.addi %mul3A_74, %add3A_75 : vector<16xi32>
      %swap3A = arith.constant 0 : index
      %swap3A_77 = tpu.vector_load %arg8[%swap3A] {strides = array<i32>} : memref<128xi32, #tpu.memory_space<vmem>>, vector<16xi32>,
      %swap3A_78 = vector.shape_cast %swap3A_77 : vector<16xi32> to vector<16xi32>
      %swap3A_79 = vector.shape_cast %add3A_76 : vector<16xi32> to vector<16xi32>
      tpu.vector_store %arg8[%swap3A], %swap3A_79 {strides = array<i32>} : memref<128xi32, #tpu.memory_space<vmem>>, vector<16xi32>,
      %get3A_80 = arith.constant 16 : index
      %get3A_81 = tpu.vector_load %arg7[%get3A_80] {strides = array<i32>} : memref<128xi32, #tpu.memory_space<vmem>>, vector<16xi32>,
      %get3A_82 = vector.shape_cast %get3A_81 : vector<16xi32> to vector<16xi32>
      %mul3A_83 = arith.constant 2 : i32
      %mul3A_84 = vector.broadcast %mul3A_83 : i32 to vector<16xi32>
      %mul3A_85 = arith.muli %get3A_82, %mul3A_84 : vector<16xi32>
      %add3A_86 = vector.broadcast %arg0 : i32 to vector<16xi32>
      %add3A_87 = arith.addi %mul3A_85, %add3A_86 : vector<16xi32>
      %swap3A_88 = arith.constant 16 : index
      %swap3A_89 = tpu.vector_load %arg8[%swap3A_88] {strides = array<i32>} : memref<128xi32, #tpu.memory_space<vmem>>, vector<16xi32>,
      %swap3A_90 = vector.shape_cast %swap3A_89 : vector<16xi32> to vector<16xi32>
      %swap3A_91 = vector.shape_cast %add3A_87 : vector<16xi32> to vector<16xi32>
      tpu.vector_store %arg8[%swap3A_88], %swap3A_91 {strides = array<i32>} : memref<128xi32, #tpu.memory_space<vmem>>, vector<16xi32>,
      %get3A_92 = arith.constant 32 : index
      %get3A_93 = tpu.vector_load %arg7[%get3A_92] {strides = array<i32>} : memref<128xi32, #tpu.memory_space<vmem>>, vector<16xi32>,
      %get3A_94 = vector.shape_cast %get3A_93 : vector<16xi32> to vector<16xi32>
      %mul3A_95 = arith.constant 2 : i32
      %mul3A_96 = vector.broadcast %mul3A_95 : i32 to vector<16xi32>
      %mul3A_97 = arith.muli %get3A_94, %mul3A_96 : vector<16xi32>
      %add3A_98 = vector.broadcast %arg0 : i32 to vector<16xi32>
      %add3A_99 = arith.addi %mul3A_97, %add3A_98 : vector<16xi32>
      %swap3A_100 = arith.constant 32 : index
      %swap3A_101 = tpu.vector_load %arg8[%swap3A_100] {strides = array<i32>} : memref<128xi32, #tpu.memory_space<vmem>>, vector<16xi32>,
      %swap3A_102 = vector.shape_cast %swap3A_101 : vector<16xi32> to vector<16xi32>
      %swap3A_103 = vector.shape_cast %add3A_99 : vector<16xi32> to vector<16xi32>
      tpu.vector_store %arg8[%swap3A_100], %swap3A_103 {strides = array<i32>} : memref<128xi32, #tpu.memory_space<vmem>>, vector<16xi32>,
      %get3A_104 = arith.constant 48 : index
      %get3A_105 = tpu.vector_load %arg7[%get3A_104] {strides = array<i32>} : memref<128xi32, #tpu.memory_space<vmem>>, vector<16xi32>,
      %get3A_106 = vector.shape_cast %get3A_105 : vector<16xi32> to vector<16xi32>
      %mul3A_107 = arith.constant 2 : i32
      %mul3A_108 = vector.broadcast %mul3A_107 : i32 to vector<16xi32>
      %mul3A_109 = arith.muli %get3A_106, %mul3A_108 : vector<16xi32>
      %add3A_110 = vector.broadcast %arg0 : i32 to vector<16xi32>
      %add3A_111 = arith.addi %mul3A_109, %add3A_110 : vector<16xi32>
      %swap3A_112 = arith.constant 48 : index
      %swap3A_113 = tpu.vector_load %arg8[%swap3A_112] {strides = array<i32>} : memref<128xi32, #tpu.memory_space<vmem>>, vector<16xi32>,
      %swap3A_114 = vector.shape_cast %swap3A_113 : vector<16xi32> to vector<16xi32>
      %swap3A_115 = vector.shape_cast %add3A_111 : vector<16xi32> to vector<16xi32>
      tpu.vector_store %arg8[%swap3A_112], %swap3A_115 {strides = array<i32>} : memref<128xi32, #tpu.memory_space<vmem>>, vector<16xi32>,
      %get3A_116 = arith.constant 64 : index
      %get3A_117 = tpu.vector_load %arg7[%get3A_116] {strides = array<i32>} : memref<128xi32, #tpu.memory_space<vmem>>, vector<16xi32>,
      %get3A_118 = vector.shape_cast %get3A_117 : vector<16xi32> to vector<16xi32>
      %mul3A_119 = arith.constant 2 : i32
      %mul3A_120 = vector.broadcast %mul3A_119 : i32 to vector<16xi32>
      %mul3A_121 = arith.muli %get3A_118, %mul3A_120 : vector<16xi32>
      %add3A_122 = vector.broadcast %arg0 : i32 to vector<16xi32>
      %add3A_123 = arith.addi %mul3A_121, %add3A_122 : vector<16xi32>
      %swap3A_124 = arith.constant 64 : index
      %swap3A_125 = tpu.vector_load %arg8[%swap3A_124] {strides = array<i32>} : memref<128xi32, #tpu.memory_space<vmem>>, vector<16xi32>,
      %swap3A_126 = vector.shape_cast %swap3A_125 : vector<16xi32> to vector<16xi32>
      %swap3A_127 = vector.shape_cast %add3A_123 : vector<16xi32> to vector<16xi32>
      tpu.vector_store %arg8[%swap3A_124], %swap3A_127 {strides = array<i32>} : memref<128xi32, #tpu.memory_space<vmem>>, vector<16xi32>,
      %get3A_128 = arith.constant 80 : index
      %get3A_129 = tpu.vector_load %arg7[%get3A_128] {strides = array<i32>} : memref<128xi32, #tpu.memory_space<vmem>>, vector<16xi32>,
      %get3A_130 = vector.shape_cast %get3A_129 : vector<16xi32> to vector<16xi32>
      %mul3A_131 = arith.constant 2 : i32
      %mul3A_132 = vector.broadcast %mul3A_131 : i32 to vector<16xi32>
      %mul3A_133 = arith.muli %get3A_130, %mul3A_132 : vector<16xi32>
      %add3A_134 = vector.broadcast %arg0 : i32 to vector<16xi32>
      %add3A_135 = arith.addi %mul3A_133, %add3A_134 : vector<16xi32>
      %swap3A_136 = arith.constant 80 : index
      %swap3A_137 = tpu.vector_load %arg8[%swap3A_136] {strides = array<i32>} : memref<128xi32, #tpu.memory_space<vmem>>, vector<16xi32>,
      %swap3A_138 = vector.shape_cast %swap3A_137 : vector<16xi32> to vector<16xi32>
      %swap3A_139 = vector.shape_cast %add3A_135 : vector<16xi32> to vector<16xi32>
      tpu.vector_store %arg8[%swap3A_136], %swap3A_139 {strides = array<i32>} : memref<128xi32, #tpu.memory_space<vmem>>, vector<16xi32>,
      %get3A_140 = arith.constant 96 : index
      %get3A_141 = tpu.vector_load %arg7[%get3A_140] {strides = array<i32>} : memref<128xi32, #tpu.memory_space<vmem>>, vector<16xi32>,
      %get3A_142 = vector.shape_cast %get3A_141 : vector<16xi32> to vector<16xi32>
      %mul3A_143 = arith.constant 2 : i32
      %mul3A_144 = vector.broadcast %mul3A_143 : i32 to vector<16xi32>
      %mul3A_145 = arith.muli %get3A_142, %mul3A_144 : vector<16xi32>
      %add3A_146 = vector.broadcast %arg0 : i32 to vector<16xi32>
      %add3A_147 = arith.addi %mul3A_145, %add3A_146 : vector<16xi32>
      %swap3A_148 = arith.constant 96 : index
      %swap3A_149 = tpu.vector_load %arg8[%swap3A_148] {strides = array<i32>} : memref<128xi32, #tpu.memory_space<vmem>>, vector<16xi32>,
      %swap3A_150 = vector.shape_cast %swap3A_149 : vector<16xi32> to vector<16xi32>
      %swap3A_151 = vector.shape_cast %add3A_147 : vector<16xi32> to vector<16xi32>
      tpu.vector_store %arg8[%swap3A_148], %swap3A_151 {strides = array<i32>} : memref<128xi32, #tpu.memory_space<vmem>>, vector<16xi32>,
      %get3A_152 = arith.constant 112 : index
      %get3A_153 = tpu.vector_load %arg7[%get3A_152] {strides = array<i32>} : memref<128xi32, #tpu.memory_space<vmem>>, vector<16xi32>,
      %get3A_154 = vector.shape_cast %get3A_153 : vector<16xi32> to vector<16xi32>
      %mul3A_155 = arith.constant 2 : i32
      %mul3A_156 = vector.broadcast %mul3A_155 : i32 to vector<16xi32>
      %mul3A_157 = arith.muli %get3A_154, %mul3A_156 : vector<16xi32>
      %add3A_158 = vector.broadcast %arg0 : i32 to vector<16xi32>
      %add3A_159 = arith.addi %mul3A_157, %add3A_158 : vector<16xi32>
      %swap3A_160 = arith.constant 112 : index
      %swap3A_161 = tpu.vector_load %arg8[%swap3A_160] {strides = array<i32>} : memref<128xi32, #tpu.memory_space<vmem>>, vector<16xi32>,
      %swap3A_162 = vector.shape_cast %swap3A_161 : vector<16xi32> to vector<16xi32>
      %swap3A_163 = vector.shape_cast %add3A_159 : vector<16xi32> to vector<16xi32>
      tpu.vector_store %arg8[%swap3A_160], %swap3A_163 {strides = array<i32>} : memref<128xi32, #tpu.memory_space<vmem>>, vector<16xi32>,
      %dma_start3A = arith.constant 0 : i32
      %dma_start3A_164 = arith.constant 0 : i32
      %dma_start3A_165 = tpu.memref_slice %arg2[%dma_start3A, %dma_start3A_164] : memref<20800x128xf32, #tpu.memory_space<hbm>> -> memref<20800x128xf32, #tpu.memory_space<hbm>>
      tpu.enqueue_indirect_dma source(%dma_start3A_165 : memref<20800x128xf32, #tpu.memory_space<hbm>>) target(%arg10 : memref<128x128xf32, #tpu.memory_space<vmem>>) offsets(%arg8 : memref<128xi32, #tpu.memory_space<vmem>>) semaphore(%arg13 : memref<!tpu.dma_semaphore, #tpu.memory_space<semaphore_mem>>)
      %dma_wait3A = arith.constant 0 : i32
      %dma_wait3A_166 = arith.constant 0 : i32
      %dma_wait3A_167 = tpu.memref_slice %arg2[%dma_wait3A, %dma_wait3A_166] : memref<20800x128xf32, #tpu.memory_space<hbm>> -> memref<20800x128xf32, #tpu.memory_space<hbm>>
      tpu.wait_indirect_dma semaphore(%arg13 : memref<!tpu.dma_semaphore, #tpu.memory_space<semaphore_mem>>) src(%dma_wait3A_167 : memref<20800x128xf32, #tpu.memory_space<hbm>>) dst(%arg10 : memref<128x128xf32, #tpu.memory_space<vmem>>)
      "tpu.region"() ({
        %run_scoped3A = tpu.sem_alloc : memref<!tpu.dma_semaphore, #tpu.memory_space<semaphore_mem>>
        %dma_start3A_168 = arith.constant 0 : i32
        %dma_start3A_169 = arith.constant 0 : i32
        %dma_start3A_170 = tpu.memref_slice %arg12[%dma_start3A_168, %dma_start3A_169] : memref<10240x128xf32, #tpu.memory_space<vmem_shared>> -> memref<10240x128xf32, #tpu.memory_space<vmem_shared>>
        tpu.enqueue_indirect_dma source(%arg10 : memref<128x128xf32, #tpu.memory_space<vmem>>) target(%dma_start3A_170 : memref<10240x128xf32, #tpu.memory_space<vmem_shared>>) offsets(%arg9 : memref<128xi32, #tpu.memory_space<vmem>>) semaphore(%run_scoped3A : memref<!tpu.dma_semaphore, #tpu.memory_space<semaphore_mem>>) {add = true}
        %dma_wait3A_171 = arith.constant 0 : i32
        %dma_wait3A_172 = arith.constant 0 : i32
        %dma_wait3A_173 = tpu.memref_slice %arg12[%dma_wait3A_171, %dma_wait3A_172] : memref<10240x128xf32, #tpu.memory_space<vmem_shared>> -> memref<10240x128xf32, #tpu.memory_space<vmem_shared>>
        tpu.wait_indirect_dma semaphore(%run_scoped3A : memref<!tpu.dma_semaphore, #tpu.memory_space<semaphore_mem>>) src(%arg10 : memref<128x128xf32, #tpu.memory_space<vmem>>) dst(%dma_wait3A_173 : memref<10240x128xf32, #tpu.memory_space<vmem_shared>>)
        tpu.yield
      }) : () -> ()
    }
    %scan3A_18 = arith.constant 157 : i32
    %barrier3A_19 = arith.constant 0 : index
    tpu.barrier barrier_id(%barrier3A_19)
    %mul3A_20 = arith.constant 640 : i32
    %mul3A_21 = arith.muli %arg1, %mul3A_20 : i32
    %add3A_22 = arith.constant 0 : i32
    %add3A_23 = arith.addi %mul3A_21, %add3A_22 : i32
    "tpu.region"() ({
      %run_scoped3A = tpu.sem_alloc : memref<!tpu.dma_semaphore, #tpu.memory_space<semaphore_mem>>
      %dma_start3A = arith.constant 0 : i32
      %dma_start3A_64 = tpu.memref_slice %arg12[%add3A_23, %dma_start3A] : memref<10240x128xf32, #tpu.memory_space<vmem_shared>> -> memref<160x128xf32, #tpu.memory_space<vmem_shared>>
      %dma_start3A_65 = arith.constant 0 : i32
      %dma_start3A_66 = tpu.memref_slice %arg12[%add3A_23, %dma_start3A_65] : memref<10240x128xf32, #tpu.memory_space<vmem_shared>> -> memref<160x128xf32, #tpu.memory_space<vmem_shared>>
      tpu.enqueue_dma source(%dma_start3A_66 : memref<160x128xf32, #tpu.memory_space<vmem_shared>>) target(%arg11 : memref<160x128xf32, #tpu.memory_space<vmem>>) target_semaphore(%run_scoped3A : memref<!tpu.dma_semaphore, #tpu.memory_space<semaphore_mem>>)
      %dma_wait3A = arith.constant 0 : i32
      %dma_wait3A_67 = tpu.memref_slice %arg12[%add3A_23, %dma_wait3A] : memref<10240x128xf32, #tpu.memory_space<vmem_shared>> -> memref<160x128xf32, #tpu.memory_space<vmem_shared>>
      %dma_wait3A_68 = arith.constant 0 : i32
      %dma_wait3A_69 = tpu.memref_slice %arg12[%add3A_23, %dma_wait3A_68] : memref<10240x128xf32, #tpu.memory_space<vmem_shared>> -> memref<160x128xf32, #tpu.memory_space<vmem_shared>>
      tpu.wait_dma2 semaphore(%run_scoped3A : memref<!tpu.dma_semaphore, #tpu.memory_space<semaphore_mem>>) src(%dma_wait3A_69 : memref<160x128xf32, #tpu.memory_space<vmem_shared>>) dst(%arg11 : memref<160x128xf32, #tpu.memory_space<vmem>>)
      tpu.yield
    }) : () -> ()
    %mul3A_24 = arith.constant 10240 : i32
    %mul3A_25 = arith.muli %arg0, %mul3A_24 : i32
    %mul3A_26 = arith.constant 640 : i32
    %mul3A_27 = arith.muli %arg1, %mul3A_26 : i32
    %add3A_28 = arith.addi %mul3A_25, %mul3A_27 : i32
    %add3A_29 = arith.constant 0 : i32
    %add3A_30 = arith.addi %add3A_28, %add3A_29 : i32
    "tpu.region"() ({
      %run_scoped3A = tpu.sem_alloc : memref<!tpu.dma_semaphore, #tpu.memory_space<semaphore_mem>>
      %dma_start3A = arith.constant 0 : i32
      %dma_start3A_64 = tpu.memref_slice %arg6[%add3A_30, %dma_start3A] : memref<20480x128xf32, #tpu.memory_space<hbm>> -> memref<160x128xf32, #tpu.memory_space<hbm>>
      %dma_start3A_65 = arith.constant 0 : i32
      %dma_start3A_66 = tpu.memref_slice %arg6[%add3A_30, %dma_start3A_65] : memref<20480x128xf32, #tpu.memory_space<hbm>> -> memref<160x128xf32, #tpu.memory_space<hbm>>
      tpu.enqueue_dma source(%arg11 : memref<160x128xf32, #tpu.memory_space<vmem>>) target(%dma_start3A_66 : memref<160x128xf32, #tpu.memory_space<hbm>>) target_semaphore(%run_scoped3A : memref<!tpu.dma_semaphore, #tpu.memory_space<semaphore_mem>>)
      %dma_wait3A = arith.constant 0 : i32
      %dma_wait3A_67 = tpu.memref_slice %arg6[%add3A_30, %dma_wait3A] : memref<20480x128xf32, #tpu.memory_space<hbm>> -> memref<160x128xf32, #tpu.memory_space<hbm>>
      %dma_wait3A_68 = arith.constant 0 : i32
      %dma_wait3A_69 = tpu.memref_slice %arg6[%add3A_30, %dma_wait3A_68] : memref<20480x128xf32, #tpu.memory_space<hbm>> -> memref<160x128xf32, #tpu.memory_space<hbm>>
      tpu.wait_dma2 semaphore(%run_scoped3A : memref<!tpu.dma_semaphore, #tpu.memory_space<semaphore_mem>>) src(%arg11 : memref<160x128xf32, #tpu.memory_space<vmem>>) dst(%dma_wait3A_69 : memref<160x128xf32, #tpu.memory_space<hbm>>)
      tpu.yield
    }) : () -> ()
    %mul3A_31 = arith.constant 640 : i32
    %mul3A_32 = arith.muli %arg1, %mul3A_31 : i32
    %add3A_33 = arith.constant 160 : i32
    %add3A_34 = arith.addi %mul3A_32, %add3A_33 : i32
    "tpu.region"() ({
      %run_scoped3A = tpu.sem_alloc : memref<!tpu.dma_semaphore, #tpu.memory_space<semaphore_mem>>
      %dma_start3A = arith.constant 0 : i32
      %dma_start3A_64 = tpu.memref_slice %arg12[%add3A_34, %dma_start3A] : memref<10240x128xf32, #tpu.memory_space<vmem_shared>> -> memref<160x128xf32, #tpu.memory_space<vmem_shared>>
      %dma_start3A_65 = arith.constant 0 : i32
      %dma_start3A_66 = tpu.memref_slice %arg12[%add3A_34, %dma_start3A_65] : memref<10240x128xf32, #tpu.memory_space<vmem_shared>> -> memref<160x128xf32, #tpu.memory_space<vmem_shared>>
      tpu.enqueue_dma source(%dma_start3A_66 : memref<160x128xf32, #tpu.memory_space<vmem_shared>>) target(%arg11 : memref<160x128xf32, #tpu.memory_space<vmem>>) target_semaphore(%run_scoped3A : memref<!tpu.dma_semaphore, #tpu.memory_space<semaphore_mem>>)
      %dma_wait3A = arith.constant 0 : i32
      %dma_wait3A_67 = tpu.memref_slice %arg12[%add3A_34, %dma_wait3A] : memref<10240x128xf32, #tpu.memory_space<vmem_shared>> -> memref<160x128xf32, #tpu.memory_space<vmem_shared>>
      %dma_wait3A_68 = arith.constant 0 : i32
      %dma_wait3A_69 = tpu.memref_slice %arg12[%add3A_34, %dma_wait3A_68] : memref<10240x128xf32, #tpu.memory_space<vmem_shared>> -> memref<160x128xf32, #tpu.memory_space<vmem_shared>>
      tpu.wait_dma2 semaphore(%run_scoped3A : memref<!tpu.dma_semaphore, #tpu.memory_space<semaphore_mem>>) src(%dma_wait3A_69 : memref<160x128xf32, #tpu.memory_space<vmem_shared>>) dst(%arg11 : memref<160x128xf32, #tpu.memory_space<vmem>>)
      tpu.yield
    }) : () -> ()
    %mul3A_35 = arith.constant 10240 : i32
    %mul3A_36 = arith.muli %arg0, %mul3A_35 : i32
    %mul3A_37 = arith.constant 640 : i32
    %mul3A_38 = arith.muli %arg1, %mul3A_37 : i32
    %add3A_39 = arith.addi %mul3A_36, %mul3A_38 : i32
    %add3A_40 = arith.constant 160 : i32
    %add3A_41 = arith.addi %add3A_39, %add3A_40 : i32
    "tpu.region"() ({
      %run_scoped3A = tpu.sem_alloc : memref<!tpu.dma_semaphore, #tpu.memory_space<semaphore_mem>>
      %dma_start3A = arith.constant 0 : i32
      %dma_start3A_64 = tpu.memref_slice %arg6[%add3A_41, %dma_start3A] : memref<20480x128xf32, #tpu.memory_space<hbm>> -> memref<160x128xf32, #tpu.memory_space<hbm>>
      %dma_start3A_65 = arith.constant 0 : i32
      %dma_start3A_66 = tpu.memref_slice %arg6[%add3A_41, %dma_start3A_65] : memref<20480x128xf32, #tpu.memory_space<hbm>> -> memref<160x128xf32, #tpu.memory_space<hbm>>
      tpu.enqueue_dma source(%arg11 : memref<160x128xf32, #tpu.memory_space<vmem>>) target(%dma_start3A_66 : memref<160x128xf32, #tpu.memory_space<hbm>>) target_semaphore(%run_scoped3A : memref<!tpu.dma_semaphore, #tpu.memory_space<semaphore_mem>>)
      %dma_wait3A = arith.constant 0 : i32
      %dma_wait3A_67 = tpu.memref_slice %arg6[%add3A_41, %dma_wait3A] : memref<20480x128xf32, #tpu.memory_space<hbm>> -> memref<160x128xf32, #tpu.memory_space<hbm>>
      %dma_wait3A_68 = arith.constant 0 : i32
      %dma_wait3A_69 = tpu.memref_slice %arg6[%add3A_41, %dma_wait3A_68] : memref<20480x128xf32, #tpu.memory_space<hbm>> -> memref<160x128xf32, #tpu.memory_space<hbm>>
      tpu.wait_dma2 semaphore(%run_scoped3A : memref<!tpu.dma_semaphore, #tpu.memory_space<semaphore_mem>>) src(%arg11 : memref<160x128xf32, #tpu.memory_space<vmem>>) dst(%dma_wait3A_69 : memref<160x128xf32, #tpu.memory_space<hbm>>)
      tpu.yield
    }) : () -> ()
    %mul3A_42 = arith.constant 640 : i32
    %mul3A_43 = arith.muli %arg1, %mul3A_42 : i32
    %add3A_44 = arith.constant 320 : i32
    %add3A_45 = arith.addi %mul3A_43, %add3A_44 : i32
    "tpu.region"() ({
      %run_scoped3A = tpu.sem_alloc : memref<!tpu.dma_semaphore, #tpu.memory_space<semaphore_mem>>
      %dma_start3A = arith.constant 0 : i32
      %dma_start3A_64 = tpu.memref_slice %arg12[%add3A_45, %dma_start3A] : memref<10240x128xf32, #tpu.memory_space<vmem_shared>> -> memref<160x128xf32, #tpu.memory_space<vmem_shared>>
      %dma_start3A_65 = arith.constant 0 : i32
      %dma_start3A_66 = tpu.memref_slice %arg12[%add3A_45, %dma_start3A_65] : memref<10240x128xf32, #tpu.memory_space<vmem_shared>> -> memref<160x128xf32, #tpu.memory_space<vmem_shared>>
      tpu.enqueue_dma source(%dma_start3A_66 : memref<160x128xf32, #tpu.memory_space<vmem_shared>>) target(%arg11 : memref<160x128xf32, #tpu.memory_space<vmem>>) target_semaphore(%run_scoped3A : memref<!tpu.dma_semaphore, #tpu.memory_space<semaphore_mem>>)
      %dma_wait3A = arith.constant 0 : i32
      %dma_wait3A_67 = tpu.memref_slice %arg12[%add3A_45, %dma_wait3A] : memref<10240x128xf32, #tpu.memory_space<vmem_shared>> -> memref<160x128xf32, #tpu.memory_space<vmem_shared>>
      %dma_wait3A_68 = arith.constant 0 : i32
      %dma_wait3A_69 = tpu.memref_slice %arg12[%add3A_45, %dma_wait3A_68] : memref<10240x128xf32, #tpu.memory_space<vmem_shared>> -> memref<160x128xf32, #tpu.memory_space<vmem_shared>>
      tpu.wait_dma2 semaphore(%run_scoped3A : memref<!tpu.dma_semaphore, #tpu.memory_space<semaphore_mem>>) src(%dma_wait3A_69 : memref<160x128xf32, #tpu.memory_space<vmem_shared>>) dst(%arg11 : memref<160x128xf32, #tpu.memory_space<vmem>>)
      tpu.yield
    }) : () -> ()
    %mul3A_46 = arith.constant 10240 : i32
    %mul3A_47 = arith.muli %arg0, %mul3A_46 : i32
    %mul3A_48 = arith.constant 640 : i32
    %mul3A_49 = arith.muli %arg1, %mul3A_48 : i32
    %add3A_50 = arith.addi %mul3A_47, %mul3A_49 : i32
    %add3A_51 = arith.constant 320 : i32
    %add3A_52 = arith.addi %add3A_50, %add3A_51 : i32
    "tpu.region"() ({
      %run_scoped3A = tpu.sem_alloc : memref<!tpu.dma_semaphore, #tpu.memory_space<semaphore_mem>>
      %dma_start3A = arith.constant 0 : i32
      %dma_start3A_64 = tpu.memref_slice %arg6[%add3A_52, %dma_start3A] : memref<20480x128xf32, #tpu.memory_space<hbm>> -> memref<160x128xf32, #tpu.memory_space<hbm>>
      %dma_start3A_65 = arith.constant 0 : i32
      %dma_start3A_66 = tpu.memref_slice %arg6[%add3A_52, %dma_start3A_65] : memref<20480x128xf32, #tpu.memory_space<hbm>> -> memref<160x128xf32, #tpu.memory_space<hbm>>
      tpu.enqueue_dma source(%arg11 : memref<160x128xf32, #tpu.memory_space<vmem>>) target(%dma_start3A_66 : memref<160x128xf32, #tpu.memory_space<hbm>>) target_semaphore(%run_scoped3A : memref<!tpu.dma_semaphore, #tpu.memory_space<semaphore_mem>>)
      %dma_wait3A = arith.constant 0 : i32
      %dma_wait3A_67 = tpu.memref_slice %arg6[%add3A_52, %dma_wait3A] : memref<20480x128xf32, #tpu.memory_space<hbm>> -> memref<160x128xf32, #tpu.memory_space<hbm>>
      %dma_wait3A_68 = arith.constant 0 : i32
      %dma_wait3A_69 = tpu.memref_slice %arg6[%add3A_52, %dma_wait3A_68] : memref<20480x128xf32, #tpu.memory_space<hbm>> -> memref<160x128xf32, #tpu.memory_space<hbm>>
      tpu.wait_dma2 semaphore(%run_scoped3A : memref<!tpu.dma_semaphore, #tpu.memory_space<semaphore_mem>>) src(%arg11 : memref<160x128xf32, #tpu.memory_space<vmem>>) dst(%dma_wait3A_69 : memref<160x128xf32, #tpu.memory_space<hbm>>)
      tpu.yield
    }) : () -> ()
    %mul3A_53 = arith.constant 640 : i32
    %mul3A_54 = arith.muli %arg1, %mul3A_53 : i32
    %add3A_55 = arith.constant 480 : i32
    %add3A_56 = arith.addi %mul3A_54, %add3A_55 : i32
    "tpu.region"() ({
      %run_scoped3A = tpu.sem_alloc : memref<!tpu.dma_semaphore, #tpu.memory_space<semaphore_mem>>
      %dma_start3A = arith.constant 0 : i32
      %dma_start3A_64 = tpu.memref_slice %arg12[%add3A_56, %dma_start3A] : memref<10240x128xf32, #tpu.memory_space<vmem_shared>> -> memref<160x128xf32, #tpu.memory_space<vmem_shared>>
      %dma_start3A_65 = arith.constant 0 : i32
      %dma_start3A_66 = tpu.memref_slice %arg12[%add3A_56, %dma_start3A_65] : memref<10240x128xf32, #tpu.memory_space<vmem_shared>> -> memref<160x128xf32, #tpu.memory_space<vmem_shared>>
      tpu.enqueue_dma source(%dma_start3A_66 : memref<160x128xf32, #tpu.memory_space<vmem_shared>>) target(%arg11 : memref<160x128xf32, #tpu.memory_space<vmem>>) target_semaphore(%run_scoped3A : memref<!tpu.dma_semaphore, #tpu.memory_space<semaphore_mem>>)
      %dma_wait3A = arith.constant 0 : i32
      %dma_wait3A_67 = tpu.memref_slice %arg12[%add3A_56, %dma_wait3A] : memref<10240x128xf32, #tpu.memory_space<vmem_shared>> -> memref<160x128xf32, #tpu.memory_space<vmem_shared>>
      %dma_wait3A_68 = arith.constant 0 : i32
      %dma_wait3A_69 = tpu.memref_slice %arg12[%add3A_56, %dma_wait3A_68] : memref<10240x128xf32, #tpu.memory_space<vmem_shared>> -> memref<160x128xf32, #tpu.memory_space<vmem_shared>>
      tpu.wait_dma2 semaphore(%run_scoped3A : memref<!tpu.dma_semaphore, #tpu.memory_space<semaphore_mem>>) src(%dma_wait3A_69 : memref<160x128xf32, #tpu.memory_space<vmem_shared>>) dst(%arg11 : memref<160x128xf32, #tpu.memory_space<vmem>>)
      tpu.yield
    }) : () -> ()
    %mul3A_57 = arith.constant 10240 : i32
    %mul3A_58 = arith.muli %arg0, %mul3A_57 : i32
    %mul3A_59 = arith.constant 640 : i32
    %mul3A_60 = arith.muli %arg1, %mul3A_59 : i32
    %add3A_61 = arith.addi %mul3A_58, %mul3A_60 : i32
    %add3A_62 = arith.constant 480 : i32
    %add3A_63 = arith.addi %add3A_61, %add3A_62 : i32
    "tpu.region"() ({
      %run_scoped3A = tpu.sem_alloc : memref<!tpu.dma_semaphore, #tpu.memory_space<semaphore_mem>>
      %dma_start3A = arith.constant 0 : i32
      %dma_start3A_64 = tpu.memref_slice %arg6[%add3A_63, %dma_start3A] : memref<20480x128xf32, #tpu.memory_space<hbm>> -> memref<160x128xf32, #tpu.memory_space<hbm>>
      %dma_start3A_65 = arith.constant 0 : i32
      %dma_start3A_66 = tpu.memref_slice %arg6[%add3A_63, %dma_start3A_65] : memref<20480x128xf32, #tpu.memory_space<hbm>> -> memref<160x128xf32, #tpu.memory_space<hbm>>
      tpu.enqueue_dma source(%arg11 : memref<160x128xf32, #tpu.memory_space<vmem>>) target(%dma_start3A_66 : memref<160x128xf32, #tpu.memory_space<hbm>>) target_semaphore(%run_scoped3A : memref<!tpu.dma_semaphore, #tpu.memory_space<semaphore_mem>>)
      %dma_wait3A = arith.constant 0 : i32
      %dma_wait3A_67 = tpu.memref_slice %arg6[%add3A_63, %dma_wait3A] : memref<20480x128xf32, #tpu.memory_space<hbm>> -> memref<160x128xf32, #tpu.memory_space<hbm>>
      %dma_wait3A_68 = arith.constant 0 : i32
      %dma_wait3A_69 = tpu.memref_slice %arg6[%add3A_63, %dma_wait3A_68] : memref<20480x128xf32, #tpu.memory_space<hbm>> -> memref<160x128xf32, #tpu.memory_space<hbm>>
      tpu.wait_dma2 semaphore(%run_scoped3A : memref<!tpu.dma_semaphore, #tpu.memory_space<semaphore_mem>>) src(%arg11 : memref<160x128xf32, #tpu.memory_space<vmem>>) dst(%dma_wait3A_69 : memref<160x128xf32, #tpu.memory_space<hbm>>)
      tpu.yield
    }) : () -> ()
    return
  }
}

module attributes {stable_mosaic.version = 14 : i64} {
  func.func @_prologue_body(%arg0: i32, %arg1: memref<400x128xf32, #tpu.memory_space<vmem>>, %arg2: memref<400x8xf32, #tpu.memory_space<vmem>>, %arg3: memref<128x128xf32, #tpu.memory_space<vmem>>, %arg4: memref<128x128xf32, #tpu.memory_space<vmem>>, %arg5: memref<128x128xf32, #tpu.memory_space<vmem>>, %arg6: memref<8x128xf32, #tpu.memory_space<vmem>>, %arg7: memref<1x128xf32, #tpu.memory_space<vmem>>, %arg8: memref<1x128xf32, #tpu.memory_space<vmem>>, %arg9: memref<400x256xf32, #tpu.memory_space<vmem>>, %arg10: memref<400x128xf32, #tpu.memory_space<vmem>>) attributes {dimension_semantics = [#tpu.dimension_semantics<arbitrary>], iteration_bounds = array<i64: 26>, scalar_prefetch = 0 : i64, scratch_operands = 0 : i64, tpu.core_type = #tpu.core_type<tc>, window_params = [{transform_indices = @transform_0, window_bounds = array<i64: 400, 128>}, {transform_indices = @transform_1, window_bounds = array<i64: 400, 8>}, {pipeline_mode = #tpu.pipeline_mode<synchronous>, transform_indices = @transform_2, window_bounds = array<i64: 128, 128>}, {pipeline_mode = #tpu.pipeline_mode<synchronous>, transform_indices = @transform_3, window_bounds = array<i64: 128, 128>}, {pipeline_mode = #tpu.pipeline_mode<synchronous>, transform_indices = @transform_4, window_bounds = array<i64: 128, 128>}, {pipeline_mode = #tpu.pipeline_mode<synchronous>, transform_indices = @transform_5, window_bounds = array<i64: 8, 128>}, {pipeline_mode = #tpu.pipeline_mode<synchronous>, transform_indices = @transform_6, window_bounds = array<i64: 1, 128>}, {pipeline_mode = #tpu.pipeline_mode<synchronous>, transform_indices = @transform_7, window_bounds = array<i64: 1, 128>}, {transform_indices = @transform_8, window_bounds = array<i64: 400, 256>}, {transform_indices = @transform_9, window_bounds = array<i64: 400, 128>}]} {
    %get3A = arith.constant 0 : index
    %get3A_0 = arith.constant 0 : index
    %get3A_1 = vector.load %arg1[%get3A, %get3A_0] : memref<400x128xf32, #tpu.memory_space<vmem>>, vector<400x128xf32>
    %get3A_2 = arith.constant 0 : index
    %get3A_3 = arith.constant 0 : index
    %get3A_4 = vector.load %arg3[%get3A_2, %get3A_3] : memref<128x128xf32, #tpu.memory_space<vmem>>, vector<128x128xf32>
    %dot_general3A = arith.constant dense<0.000000e+00> : vector<400x128xf32>
    %dot_general3A_5 = tpu.matmul %get3A_1, %get3A_4, %dot_general3A {dimension_numbers = #tpu.dot_dimension_numbers<[1], [0], [0], [1], [0, 0, 1, 1], [], []>, transpose_lhs_hint = false} : vector<400x128xf32>, vector<128x128xf32>, vector<400x128xf32> -> vector<400x128xf32>
    %get3A_6 = arith.constant 0 : index
    %get3A_7 = arith.constant 0 : index
    %get3A_8 = vector.load %arg7[%get3A_6, %get3A_7] : memref<1x128xf32, #tpu.memory_space<vmem>>, vector<1x128xf32>
    %add3A = vector.broadcast %get3A_8 : vector<1x128xf32> to vector<400x128xf32>
    %add3A_9 = arith.addf %dot_general3A_5, %add3A : vector<400x128xf32>
    %max3A = arith.constant 0.000000e+00 : f32
    %max3A_10 = vector.broadcast %max3A : f32 to vector<400x128xf32>
    %max3A_11 = arith.maximumf %add3A_9, %max3A_10 : vector<400x128xf32>
    %get3A_12 = arith.constant 0 : index
    %get3A_13 = arith.constant 0 : index
    %get3A_14 = vector.load %arg2[%get3A_12, %get3A_13] : memref<400x8xf32, #tpu.memory_space<vmem>>, vector<400x8xf32>
    %get3A_15 = arith.constant 0 : index
    %get3A_16 = arith.constant 0 : index
    %get3A_17 = vector.load %arg6[%get3A_15, %get3A_16] : memref<8x128xf32, #tpu.memory_space<vmem>>, vector<8x128xf32>
    %dot_general3A_18 = arith.constant dense<0.000000e+00> : vector<400x128xf32>
    %dot_general3A_19 = tpu.matmul %get3A_14, %get3A_17, %dot_general3A_18 {dimension_numbers = #tpu.dot_dimension_numbers<[1], [0], [0], [1], [0, 0, 1, 1], [], []>, transpose_lhs_hint = false} : vector<400x8xf32>, vector<8x128xf32>, vector<400x128xf32> -> vector<400x128xf32>
    %get3A_20 = arith.constant 0 : index
    %get3A_21 = arith.constant 0 : index
    %get3A_22 = vector.load %arg4[%get3A_20, %get3A_21] : memref<128x128xf32, #tpu.memory_space<vmem>>, vector<128x128xf32>
    %dot_general3A_23 = arith.constant dense<0.000000e+00> : vector<400x128xf32>
    %dot_general3A_24 = tpu.matmul %max3A_11, %get3A_22, %dot_general3A_23 {dimension_numbers = #tpu.dot_dimension_numbers<[1], [0], [0], [1], [0, 0, 1, 1], [], []>, transpose_lhs_hint = false} : vector<400x128xf32>, vector<128x128xf32>, vector<400x128xf32> -> vector<400x128xf32>
    %add3A_25 = arith.addf %dot_general3A_24, %dot_general3A_19 : vector<400x128xf32>
    %get3A_26 = arith.constant 0 : index
    %get3A_27 = arith.constant 0 : index
    %get3A_28 = vector.load %arg5[%get3A_26, %get3A_27] : memref<128x128xf32, #tpu.memory_space<vmem>>, vector<128x128xf32>
    %dot_general3A_29 = arith.constant dense<0.000000e+00> : vector<400x128xf32>
    %dot_general3A_30 = tpu.matmul %max3A_11, %get3A_28, %dot_general3A_29 {dimension_numbers = #tpu.dot_dimension_numbers<[1], [0], [0], [1], [0, 0, 1, 1], [], []>, transpose_lhs_hint = false} : vector<400x128xf32>, vector<128x128xf32>, vector<400x128xf32> -> vector<400x128xf32>
    %sub3A = arith.subf %dot_general3A_30, %dot_general3A_19 : vector<400x128xf32>
    %neg3A = arith.constant 0.000000e+00 : f32
    %neg3A_31 = vector.broadcast %neg3A : f32 to vector<400x128xf32>
    %neg3A_32 = arith.subf %neg3A_31, %add3A_25 : vector<400x128xf32>
    %exp3A = math.exp %neg3A_32 : vector<400x128xf32>
    %mul3A = arith.mulf %exp3A, %sub3A : vector<400x128xf32>
    %concatenate3A = tpu.concatenate %exp3A, %mul3A in 1 : vector<400x128xf32>, vector<400x128xf32> -> vector<400x256xf32>
    %swap3A = arith.constant 0 : index
    %swap3A_33 = arith.constant 0 : index
    %swap3A_34 = vector.load %arg9[%swap3A, %swap3A_33] : memref<400x256xf32, #tpu.memory_space<vmem>>, vector<400x256xf32>
    tpu.vector_store %arg9[%swap3A, %swap3A_33], %concatenate3A {strides = array<i32>} : memref<400x256xf32, #tpu.memory_space<vmem>>, vector<400x256xf32>,
    %get3A_35 = arith.constant 0 : index
    %get3A_36 = arith.constant 0 : index
    %get3A_37 = vector.load %arg8[%get3A_35, %get3A_36] : memref<1x128xf32, #tpu.memory_space<vmem>>, vector<1x128xf32>
    %add3A_38 = vector.broadcast %get3A_37 : vector<1x128xf32> to vector<400x128xf32>
    %add3A_39 = arith.addf %dot_general3A_19, %add3A_38 : vector<400x128xf32>
    %swap3A_40 = arith.constant 0 : index
    %swap3A_41 = arith.constant 0 : index
    %swap3A_42 = vector.load %arg10[%swap3A_40, %swap3A_41] : memref<400x128xf32, #tpu.memory_space<vmem>>, vector<400x128xf32>
    tpu.vector_store %arg10[%swap3A_40, %swap3A_41], %add3A_39 {strides = array<i32>} : memref<400x128xf32, #tpu.memory_space<vmem>>, vector<400x128xf32>,
    return
  }
  func.func @transform_0(%arg0: i32) -> (i32, i32) {
    %c0_i32 = arith.constant 0 : i32
    %c0_i32_0 = arith.constant 0 : i32
    return %arg0, %c0_i32 : i32, i32
  }
  func.func @transform_1(%arg0: i32) -> (i32, i32) {
    %c0_i32 = arith.constant 0 : i32
    %c0_i32_0 = arith.constant 0 : i32
    return %arg0, %c0_i32 : i32, i32
  }
  func.func @transform_2(%arg0: i32) -> (i32, i32) {
    %c0_i32 = arith.constant 0 : i32
    %c0_i32_0 = arith.constant 0 : i32
    %c0_i32_1 = arith.constant 0 : i32
    return %c0_i32, %c0_i32_0 : i32, i32
  }
  func.func @transform_3(%arg0: i32) -> (i32, i32) {
    %c0_i32 = arith.constant 0 : i32
    %c0_i32_0 = arith.constant 0 : i32
    %c0_i32_1 = arith.constant 0 : i32
    return %c0_i32, %c0_i32_0 : i32, i32
  }
  func.func @transform_4(%arg0: i32) -> (i32, i32) {
    %c0_i32 = arith.constant 0 : i32
    %c0_i32_0 = arith.constant 0 : i32
    %c0_i32_1 = arith.constant 0 : i32
    return %c0_i32, %c0_i32_0 : i32, i32
  }
  func.func @transform_5(%arg0: i32) -> (i32, i32) {
    %c0_i32 = arith.constant 0 : i32
    %c0_i32_0 = arith.constant 0 : i32
    %c0_i32_1 = arith.constant 0 : i32
    return %c0_i32, %c0_i32_0 : i32, i32
  }
  func.func @transform_6(%arg0: i32) -> (i32, i32) {
    %c0_i32 = arith.constant 0 : i32
    %c0_i32_0 = arith.constant 0 : i32
    %c0_i32_1 = arith.constant 0 : i32
    return %c0_i32, %c0_i32_0 : i32, i32
  }
  func.func @transform_7(%arg0: i32) -> (i32, i32) {
    %c0_i32 = arith.constant 0 : i32
    %c0_i32_0 = arith.constant 0 : i32
    %c0_i32_1 = arith.constant 0 : i32
    return %c0_i32, %c0_i32_0 : i32, i32
  }
  func.func @transform_8(%arg0: i32) -> (i32, i32) {
    %c0_i32 = arith.constant 0 : i32
    %c0_i32_0 = arith.constant 0 : i32
    return %arg0, %c0_i32 : i32, i32
  }
  func.func @transform_9(%arg0: i32) -> (i32, i32) {
    %c0_i32 = arith.constant 0 : i32
    %c0_i32_0 = arith.constant 0 : i32
    return %arg0, %c0_i32 : i32, i32
  }
}

module attributes {stable_mosaic.version = 14 : i64} {
  func.func @_epilogue_body(%arg0: i32, %arg1: memref<400x128xf32, #tpu.memory_space<vmem>>, %arg2: memref<400x128xf32, #tpu.memory_space<vmem>>, %arg3: memref<400x128xf32, #tpu.memory_space<vmem>>, %arg4: memref<128x128xf32, #tpu.memory_space<vmem>>, %arg5: memref<1x128xf32, #tpu.memory_space<vmem>>, %arg6: memref<400x128xf32, #tpu.memory_space<vmem>>) attributes {dimension_semantics = [#tpu.dimension_semantics<arbitrary>], iteration_bounds = array<i64: 25>, scalar_prefetch = 0 : i64, scratch_operands = 0 : i64, tpu.core_type = #tpu.core_type<tc>, window_params = [{transform_indices = @transform_0, window_bounds = array<i64: 400, 128>}, {transform_indices = @transform_1, window_bounds = array<i64: 400, 128>}, {transform_indices = @transform_2, window_bounds = array<i64: 400, 128>}, {pipeline_mode = #tpu.pipeline_mode<synchronous>, transform_indices = @transform_3, window_bounds = array<i64: 128, 128>}, {pipeline_mode = #tpu.pipeline_mode<synchronous>, transform_indices = @transform_4, window_bounds = array<i64: 1, 128>}, {transform_indices = @transform_5, window_bounds = array<i64: 400, 128>}]} {
    %get3A = arith.constant 0 : index
    %get3A_0 = arith.constant 0 : index
    %get3A_1 = vector.load %arg1[%get3A, %get3A_0] : memref<400x128xf32, #tpu.memory_space<vmem>>, vector<400x128xf32>
    %get3A_2 = arith.constant 0 : index
    %get3A_3 = arith.constant 0 : index
    %get3A_4 = vector.load %arg2[%get3A_2, %get3A_3] : memref<400x128xf32, #tpu.memory_space<vmem>>, vector<400x128xf32>
    %get3A_5 = arith.constant 0 : index
    %get3A_6 = arith.constant 0 : index
    %get3A_7 = vector.load %arg3[%get3A_5, %get3A_6] : memref<400x128xf32, #tpu.memory_space<vmem>>, vector<400x128xf32>
    %mul3A = arith.mulf %get3A_7, %get3A_1 : vector<400x128xf32>
    %add3A = arith.addf %get3A_4, %mul3A : vector<400x128xf32>
    %add3A_8 = arith.constant 1.000000e-16 : f32
    %add3A_9 = vector.broadcast %add3A_8 : f32 to vector<400x128xf32>
    %add3A_10 = arith.addf %get3A_1, %add3A_9 : vector<400x128xf32>
    %div3A = arith.divf %add3A, %add3A_10 : vector<400x128xf32>
    %get3A_11 = arith.constant 0 : index
    %get3A_12 = arith.constant 0 : index
    %get3A_13 = vector.load %arg4[%get3A_11, %get3A_12] : memref<128x128xf32, #tpu.memory_space<vmem>>, vector<128x128xf32>
    %dot_general3A = arith.constant dense<0.000000e+00> : vector<400x128xf32>
    %dot_general3A_14 = tpu.matmul %div3A, %get3A_13, %dot_general3A {dimension_numbers = #tpu.dot_dimension_numbers<[1], [0], [0], [1], [0, 0, 1, 1], [], []>, transpose_lhs_hint = false} : vector<400x128xf32>, vector<128x128xf32>, vector<400x128xf32> -> vector<400x128xf32>
    %get3A_15 = arith.constant 0 : index
    %get3A_16 = arith.constant 0 : index
    %get3A_17 = vector.load %arg5[%get3A_15, %get3A_16] : memref<1x128xf32, #tpu.memory_space<vmem>>, vector<1x128xf32>
    %add3A_18 = vector.broadcast %get3A_17 : vector<1x128xf32> to vector<400x128xf32>
    %add3A_19 = arith.addf %dot_general3A_14, %add3A_18 : vector<400x128xf32>
    %max3A = arith.constant 0.000000e+00 : f32
    %max3A_20 = vector.broadcast %max3A : f32 to vector<400x128xf32>
    %max3A_21 = arith.maximumf %add3A_19, %max3A_20 : vector<400x128xf32>
    %swap3A = arith.constant 0 : index
    %swap3A_22 = arith.constant 0 : index
    %swap3A_23 = vector.load %arg6[%swap3A, %swap3A_22] : memref<400x128xf32, #tpu.memory_space<vmem>>, vector<400x128xf32>
    tpu.vector_store %arg6[%swap3A, %swap3A_22], %max3A_21 {strides = array<i32>} : memref<400x128xf32, #tpu.memory_space<vmem>>, vector<400x128xf32>,
    return
  }
  func.func @transform_0(%arg0: i32) -> (i32, i32) {
    %c0_i32 = arith.constant 0 : i32
    %c0_i32_0 = arith.constant 0 : i32
    return %arg0, %c0_i32 : i32, i32
  }
  func.func @transform_1(%arg0: i32) -> (i32, i32) {
    %c0_i32 = arith.constant 0 : i32
    %c0_i32_0 = arith.constant 0 : i32
    return %arg0, %c0_i32 : i32, i32
  }
  func.func @transform_2(%arg0: i32) -> (i32, i32) {
    %c0_i32 = arith.constant 0 : i32
    %c0_i32_0 = arith.constant 0 : i32
    return %arg0, %c0_i32 : i32, i32
  }
  func.func @transform_3(%arg0: i32) -> (i32, i32) {
    %c0_i32 = arith.constant 0 : i32
    %c0_i32_0 = arith.constant 0 : i32
    %c0_i32_1 = arith.constant 0 : i32
    return %c0_i32, %c0_i32_0 : i32, i32
  }
  func.func @transform_4(%arg0: i32) -> (i32, i32) {
    %c0_i32 = arith.constant 0 : i32
    %c0_i32_0 = arith.constant 0 : i32
    %c0_i32_1 = arith.constant 0 : i32
    return %c0_i32, %c0_i32_0 : i32, i32
  }
  func.func @transform_5(%arg0: i32) -> (i32, i32) {
    %c0_i32 = arith.constant 0 : i32
    %c0_i32_0 = arith.constant 0 : i32
    return %arg0, %c0_i32 : i32, i32
  }
}

</mosaic_0001>

<sc_bundles>
// kernel: kernel.5.cloned.1.call-start
scs
__scs_entry_jumppad:
0x0: {  	(pc) =	sbr.rel $0x88, $3  }
0x1: {  	(tag) =	ssettag $0x0;
	lr =	simm.s32 $0x1  }
0x2: {  	[smem:$0x3F96] =	sst lr;
	_ =	strace $0xD0000000  }
0x3: {  	_ = 	snop  }
0x4: {  	_ = 	snop  }
0x5: {  	_ = 	snop  }
0x6: {  	_ = 	snop  }
0x7: {  	_ = 	snop  }
__scs_overlays_trampoline_lowered:
0x8: {  	[smem:$0x3FA5] =	sst s0  }
0x9: {  	[smem:$0x3FA6] =	sst s1  }
0xa: {  	[smem:$0x3FA7] =	sst s2  }
0xb: {  	[smem:$0x3FA8] =	sst s3  }
0xc: {  	[smem:$0x3FA9] =	sst s4  }
0xd: {  	[smem:$0x3FAA] =	sst s5  }
0xe: {  	[smem:$0x3FAB] =	sst s6  }
0xf: {  	[smem:$0x3FAC] =	sst s7  }
0x10: {  	[smem:$0x3FAD] =	sst s8  }
0x11: {  	[smem:$0x3FAE] =	sst s9;
	s0 =	simm.s32 @!p0 $0x0  }
0x12: {  	s1 =	sld [smem:$0x3F94];
	s0 =	simm.s32 @p0 $0x1  }
0x13: {  	[smem:$0x3FAF] =	sst s0;
	s0 =	simm.s32 @!p1 $0x0  }
0x14: {  	s2 =	sld [smem:$0x3F93];
	s0 =	simm.s32 @p1 $0x1  }
0x15: {  	[smem:$0x3FB0] =	sst s0;
	s0 =	simm.s32 @!p2 $0x0  }
0x16: {  	s3 =	sld [smem:$0x3FDB];
	s0 =	simm.s32 @p2 $0x1  }
0x17: {  	s4 =	simm.s32 $0x1BF5;
	[smem:$0x3FB2] =	sst s0  }
0x18: {  	s0 =	sld [smem:$0x3F95];
	_ =	swait.ge [sflag:s4], $0x0  }
0x19: {  	s7 =	sld [smem:$0x3F96]  }
0x1a: {  	s8 =	sadd.s32 $0xFFFFE003, lr  }
0x1b: {  	s9 =	sadd.s32 $0xFFFFFEF7, lr;
	s5 =	simm.s32 $0xFFFFFFFF;
	p2 =	slt.u32 s8, $0xFFFFF086  }
0x1c: {  	p1 =	slt.u32 s9, $0xF7A;
	s5 =	simm.s32 @!p2 $0x0  }
0x1d: {  	s5 =	simm.s32 @p1 $0x1;
	p0 =	seq.s32 s7, s2  }
0x1e: {  	s7 =	smul.u32 @!p0 $0xF7A, s2;
	p2 =	seq.s32 @!p0 s5, $0x0  }
0x1f: {  	s9 =	smul.u32 $0xF7A, s1;
	s8 =	simm.s32 @!p0 $0x1BF5;
	p2 =	por !p2, p0  }
0x20: {  	[sflag:s8] =	ssyncset.s32 @!p0 $0xFFFFF086;
	s6 =	sadd.s32 @!p0 s3, s7;
	s7 =	simm.s32 @!p0 $0x108  }
0x21: {  	s3 =	sadd.s32 s3, s9;
	s6 =	sadd.s32 @!p0 $0x88, s6;
	s7 =	simm.s32 @p2 $0x1082  }
0x22: {  	[simem:s7], [sflag:s8] =	dma.local @!p0 [hbm:s6], $0xF7A  }
0x23: {  	s9 =	sor.u32 $0xD0000000, s2;
	s6 =	simm.s32 $0x108;
	_ =	swait.ge @!p0 [sflag:s8], $0x0  }
0x24: {  	s3 =	sadd.s32 $0x88, s3;
	s6 =	simm.s32 @!p1 $0x1082;
	[sflag:s4] =	ssyncset.s32 $0xFFFFF086  }
0x25: {  	[simem:s6], [sflag:s4] =	dma.local [hbm:s3], $0xF7A  }
0x26: {  	[smem:$0x3F96] =	sst s1;
	(tag) =	ssettag s2;
	_ =	strace s9  }
0x27: {  	s1 =	sld [smem:$0x3FA6]  }
0x28: {  	s2 =	sld [smem:$0x3FA7]  }
0x29: {  	s4 =	sld [smem:$0x3FA9]  }
0x2a: {  	p0 =	seq.s32 s5, $0x0;
	s5 =	sld [smem:$0x3FAA]  }
0x2b: {  	s6 =	sld [smem:$0x3FAB]  }
0x2c: {  	s7 =	sld [smem:$0x3FAC]  }
0x2d: {  	s3 =	simm.s32 $0x108;
	s8 =	sld [smem:$0x3FAD]  }
0x2e: {  	s3 =	simm.s32 @!p0 $0x1082;
	s9 =	sld [smem:$0x3FAE]  }
0x2f: {  	lr =	sadd.s32 s0, s3;
	s0 =	sld [smem:$0x3FA5]  }
0x30: {  	s3 =	sld [smem:$0x3FA8]  }
0x31: {  	[smem:$0x3FB1] =	sst s10  }
0x32: {  	s10 =	sld [smem:$0x3FAF];
	_ =	sdelay $0x3  }
0x33: {  	p0 =	seq.s32 s10, $0x1;
	s10 =	sld [smem:$0x3FB1];
	_ =	sdelay $0x3  }
0x34: {  	[smem:$0x3FB1] =	sst s10  }
0x35: {  	s10 =	sld [smem:$0x3FB0];
	_ =	sdelay $0x3  }
0x36: {  	p1 =	seq.s32 s10, $0x1;
	s10 =	sld [smem:$0x3FB1];
	_ =	sdelay $0x3  }
0x37: {  	[smem:$0x3FB1] =	sst s10  }
0x38: {  	s10 =	sld [smem:$0x3FB2]  }
0x39: {  	_ = 	snop;
	(pc) =	sbr.ind lr, $3  }
0x3a: {  	_ = 	snop  }
0x3b: {  	_ = 	snop  }
0x3c: {  	p2 =	seq.s32 s10, $0x1;
	s10 =	sld [smem:$0x3FB1]  }
0x3d: {  	_ =	shalt  }
0x3e: {  	_ =	shalt  }
0x3f: {  	_ =	shalt  }
0x40: {  	_ =	shalt  }
0x41: {  	_ =	shalt  }
0x42: {  	_ =	shalt  }
0x43: {  	_ =	shalt  }
0x44: {  	_ =	shalt  }
0x45: {  	_ =	shalt  }
0x46: {  	_ =	shalt  }
0x47: {  	_ =	shalt  }
0x48: {  	_ =	shalt  }
0x49: {  	_ =	shalt  }
0x4a: {  	_ =	shalt  }
0x4b: {  	_ =	shalt  }
0x4c: {  	_ =	shalt  }
0x4d: {  	_ =	shalt  }
0x4e: {  	_ =	shalt  }
0x4f: {  	_ =	shalt  }
0x50: {  	_ =	shalt  }
0x51: {  	_ =	shalt  }
0x52: {  	_ =	shalt  }
0x53: {  	_ =	shalt  }
0x54: {  	_ =	shalt  }
0x55: {  	_ =	shalt  }
0x56: {  	_ =	shalt  }
0x57: {  	_ =	shalt  }
0x58: {  	_ =	shalt  }
0x59: {  	_ =	shalt  }
0x5a: {  	_ =	shalt  }
0x5b: {  	_ =	shalt  }
0x5c: {  	_ =	shalt  }
0x5d: {  	_ =	shalt  }
0x5e: {  	_ =	shalt  }
0x5f: {  	_ =	shalt  }
0x60: {  	_ =	shalt  }
0x61: {  	_ =	shalt  }
0x62: {  	_ =	shalt  }
0x63: {  	_ =	shalt  }
0x64: {  	_ =	shalt  }
0x65: {  	_ =	shalt  }
0x66: {  	_ =	shalt  }
0x67: {  	_ =	shalt  }
0x68: {  	_ =	shalt  }
0x69: {  	_ =	shalt  }
0x6a: {  	_ =	shalt  }
0x6b: {  	_ =	shalt  }
0x6c: {  	_ =	shalt  }
0x6d: {  	_ =	shalt  }
0x6e: {  	_ =	shalt  }
0x6f: {  	_ =	shalt  }
0x70: {  	_ =	shalt  }
0x71: {  	_ =	shalt  }
0x72: {  	_ =	shalt  }
0x73: {  	_ =	shalt  }
0x74: {  	_ =	shalt  }
0x75: {  	_ =	shalt  }
0x76: {  	_ =	shalt  }
0x77: {  	_ =	shalt  }
0x78: {  	_ =	shalt  }
0x79: {  	_ =	shalt  }
0x7a: {  	_ =	shalt  }
0x7b: {  	_ =	shalt  }
0x7c: {  	_ =	shalt  }
0x7d: {  	_ =	shalt  }
0x7e: {  	_ =	shalt  }
0x7f: {  	_ =	shalt  }
0x80: {  	_ =	shalt  }
0x81: {  	_ =	shalt  }
0x82: {  	_ =	shalt  }
0x83: {  	_ =	shalt  }
0x84: {  	_ =	shalt  }
0x85: {  	_ =	shalt  }
0x86: {  	_ =	shalt  }
0x87: {  	_ =	shalt  }
.Lfunc_end0:
.L_simem_size_0:
called_computation_lowered:
.L_overlay_start_0:
0x88: {  	s2 =	sld [smem:$0x3FD9]  }
0x89: {  	s3 =	sld [smem:$0x3FFE];
	_ =	sdelay $0x1  }
0x8a: {  	s1 =	srdreg.scid  }
0x8b: {  	s0 =	sand.u32 $0x1, s1  }
0x8c: {  	s17 =	sshll.u32 s0, $0xA;
	s2 =	sadd.s32 s3, s2  }
0x8d: {  	s2 =	sadd.s32 s2, s17  }
0x8e: {  	[smem:$0x3FBD] =	sst s2  }
0x8f: {  	_ = 	snop  }
0x90: {  	s2 =	sld [smem:$0x3FD0];
	(tm) =	ssettm $0x1  }
0x91: {  	s18 =	sld [smem:$0x3FFB];
	_ =	sdelay $0x3  }
0x92: {  	_ =	strace s18  }
0x93: {  	s3 =	sld [smem:$0x3FFC];
	_ =	sdelay $0x3  }
0x94: {  	_ =	strace s3  }
0x95: {  	s3 =	sld [smem:$0x3FFD];
	_ =	sdelay $0x3  }
0x96: {  	_ =	strace s3  }
0x97: {  	_ =	strace $0x8FFFFFFF  }
0x98: {  	s19 =	sld [smem:$0x3FDB];
	_ =	sdelay $0x1  }
0x99: {  	s4 =	simm.s32 $_scs_section_size  }
0x9a: {  	s5 =	simm.s32 $_size__tile_overlayer_lowered;
	s6 =	simm.s32 $_tile_overlayer_lowered  }
0x9b: {  	s22 =	simm.s32 $0x1BFF;
	s21 =	sshll.u32 s6, $0x1;
	s3 =	sadd.s32 s4, s19  }
0x9c: {  	s7 =	simm.s32 $0x0;
	s20 =	sshll.u32 s5, $0x1;
	s5 =	sadd.s32 s21, s3  }
0x9d: {  	[timem:s7], [sflag:s22] =	dma.local [hbm:s5], s20  }
0x9e: {  	_ =	swait.ge [sflag:s22], s20  }
0x9f: {  	s4 =	ssub.s32 $0x0, s20;
	[sflag:s22] =	ssyncset.done $0x0  }
0xa0: {  	[sflag:s22] =	ssyncadd.s32 s4;
	_ =	sdelay $0x1  }
0xa1: {  	s23 =	simm.s32 $0x1B8B  }
0xa2: {  	_ =	swait.ge [sflag:s23], $0x1  }
0xa3: {  	[sflag:s23] =	ssyncset.done $0x0  }
0xa4: {  	s25 =	simm.s32 $0x1B8E;
	s24 =	sld [smem:$0x3FFE];
	[sflag:s23] =	ssyncadd.s32 $0xFFFFFFFF  }
0xa5: {  	s26 =	simm.s32 $execute0_lowered;
	[smem:$0x3FD2] =	sst s25  }
0xa6: {  	s5 =	sshll.u32 s26, $0x1;
	_ =	strace $0x80000046;
	[dreg:$0x1] =	wrdreg $0xFFFFFFFF  }
0xa7: {  	s28 =	simm.s32 $_size_execute0_lowered;
	s3 =	sadd.s32 s3, s5;
	[dreg:$0x0] =	wrdreg $0x0  }
0xa8: {  	s5 =	sshll.u32 s28, $0x1;
	[dreg:$0x2] =	wrdreg s3  }
0xa9: {  	[dreg:$0x3] =	wrdreg s5  }
0xaa: {  	[dreg:$0x4] =	wrdreg $0xC0  }
0xab: {  	_ =	task [dreg:s7], $0x5FFFF  }
0xac: {  	[dreg:$0x1] =	wrdreg $0xFFFFFFFF  }
0xad: {  	[dreg:$0x0] =	wrdreg $0x60  }
0xae: {  	[dreg:$0x2] =	wrdreg s24  }
0xaf: {  	[dreg:$0x3] =	wrdreg s2  }
0xb0: {  	[dreg:$0x4] =	wrdreg $0x91800  }
0xb1: {  	[dreg:$0x5] =	wrdreg $0x9  }
0xb2: {  	_ =	task.clear_ibuf [dreg:s7], $0x6FFFF;
	_ =	strace $0x90000046  }
0xb3: {  	s29 =	simm.s32 $0x9;
	_ =	strace $0x80000048  }
0xb4: {  	_ =	swait.ge [sflag:s29], $0x1  }
0xb5: {  	[sflag:s29] =	ssyncadd.s32 $0xFFFFFFFF  }
0xb6: {  	_ =	strace $0x90000048  }
0xb7: {  	_ =	sfence  }
0xb8: {  	s30 =	sld [smem:$0x0];
	_ =	sdelay $0x2  }
0xb9: {  	s31 =	sshll.u32 s1, $0xD;
	s1 =	sshrl.u32 s1, $0x2  }
0xba: {  	s3 =	sand.u32 $0x4000, s31;
	s1 =	sadd.s32 s1, s30  }
0xbb: {  	s0 =	sor.u32 s3, s0;
	s1 =	sshll.u32 s1, $0x11  }
0xbc: {  	s0 =	sor.u32 s1, s0  }
0xbd: {  	s0 =	sadd.s32 $0x8F2B, s0  }
0xbe: {  	[sflag:s0] =	ssyncadd.remote.s32 $0x1  }
0xbf: {  	_ =	sfence.sel $0xFFFF  }
0xc0: {  	[dreg:$0x0] =	wrdreg $0xFFFFFFFF;
	(pc) =	sbr.abs _section_cstart, $3  }
0xc1: {  	[dreg:$0x1] =	wrdreg $0xFFFFFFFF  }
0xc2: {  	_ =	task.clear_ibuf [dreg:s7], $0x2FFFF;
	_ =	strace $0x9FFFFFFF  }
0xc3: {  	(tm) =	ssettm $0x7FFFFFFF  }
tec
execute0_lowered:
.L_overlay_start_1:
0x0: {  	(tag) =	ssettag $0x1  }
0x1: {  	s6 =	rddreg [dreg:$0x0]  }
0x2: {  	s16 =	rddreg [dreg:$0x1]  }
0x3: {  	s2 =	rddreg [dreg:$0x2]  }
0x4: {  	s0 =	rddreg [dreg:$0x3]  }
0x5: {  	s1 =	stileid.u32;
	s4 =	srdreg.scid  }
0x6: {  	s3 =	simm.s32 $0x0;
	s18 =	simm.s32 $0x2;
	s19 =	simm.s32 $0x100  }
0x7: {  	s20 =	simm.s32 $0x80;
	s22 =	simm.s32 $0x1;
	s17 =	smul.u32 $0x9D0, s1  }
0x8: {  	s23 =	simm.s32 $0x0;
	s21 =	sand.u32 $0x1, s4;
	s7 =	smul.u32 $0x280, s1  }
0x9: {  	[smem:$0x7FF] =	sst s3;
	s4 =	sadd.s32 $0x52E00, s6;
	s9 =	smul.u32 $0x50000, s1  }
0xa: {  	s5 =	sadd.s32 $0xB800, s6;
	s8 =	smul.u32 $0x2800, s21;
	_ =	strace $0x80000047  }
0xb: {  	s30 =	ssub.s32 $0x2, s21;
	v0 =	vmov s21;
	s21 =	simm.s32 $0x180;
	s15 =	sadd.s32 s17, s6  }
0xc: {  	s9 =	sshrl.u32 s9, $0x2;
	s31 =	sshrl.u32 s30, $0x1;
	s7 =	sadd.s32 s7, s8  }
0xd: {  	s16 =	sadd.s32 s17, s16;
	s17 =	simm.s32 $0x4180;
	s7 =	sshll.u32 s7, $0x4  }
0xe: {  	s14 =	ssub.s32 s30, s31;
	s13 =	sadd.s32 s7, s6;
	s6 =	sadd.s32 s9, s2  }
0xf: {  	s15 =	sadd.s32 $0x1A00, s15;
	s14 =	smax.u32 s14, $0x1;
	s7 =	sadd.s32 $0x5000, s6  }
0x10: {  	s8 =	sadd.s32 $0xA000, s6;
	s9 =	sadd.s32 $0xF000, s6;
	s10 =	sadd.s32 $0xA4200, s13  }
0x11: {  	s11 =	sadd.s32 $0xA4C00, s13;
	s12 =	sadd.s32 $0xA5600, s13;
	s13 =	sadd.s32 $0xA6000, s13  }
.LBB2_1:
0x12: {  	[tilespmem:s17], [sflag:$0x2] =	stream.linear.gather [hbm4b:s5+s3], $0x5000, $0x38;
	[tilespmem:$0x1D180] =	vst v63  }
0x13: {  	_ =	swait.ge [sflag:s18], $0x5000  }
0x14: {  	[sflag:s18] =	ssyncset.done $0x0  }
0x15: {  	[sflag:s18] =	ssyncadd.s32 $0xFFFFB000  }
0x16: {  	[spmem:s6] =	stream.linear.scatter [tilespmem:s17], [sflag:$0x2], $0x5000, $0x38;
	[tilespmem:$0x1D180] =	vst v63  }
0x17: {  	_ =	swait.ge [sflag:s18], $0x5000  }
0x18: {  	[sflag:s18] =	ssyncset.done $0x0  }
0x19: {  	[sflag:s18] =	ssyncadd.s32 $0xFFFFB000  }
0x1a: {  	[spmem:s7] =	stream.linear.scatter [tilespmem:s17], [sflag:$0x2], $0x5000, $0x38;
	[tilespmem:$0x1D180] =	vst v63  }
0x1b: {  	_ =	swait.ge [sflag:s18], $0x5000  }
0x1c: {  	[sflag:s18] =	ssyncset.done $0x0  }
0x1d: {  	[sflag:s18] =	ssyncadd.s32 $0xFFFFB000  }
0x1e: {  	[spmem:s8] =	stream.linear.scatter [tilespmem:s17], [sflag:$0x2], $0x5000, $0x38;
	[tilespmem:$0x1D180] =	vst v63  }
0x1f: {  	_ =	swait.ge [sflag:s18], $0x5000  }
0x20: {  	[sflag:s18] =	ssyncset.done $0x0  }
0x21: {  	[sflag:s18] =	ssyncadd.s32 $0xFFFFB000  }
0x22: {  	[spmem:s9] =	stream.linear.scatter [tilespmem:s17], [sflag:$0x2], $0x5000, $0x38;
	[tilespmem:$0x1D180] =	vst v63  }
0x23: {  	_ =	swait.ge [sflag:s18], $0x5000  }
0x24: {  	[sflag:s18] =	ssyncset.done $0x0  }
0x25: {  	[sflag:s18] =	ssyncadd.s32 $0xFFFFB000  }
0x26: {  	s24 =	sadd.s32 $0x0, s16;
	[bflag:$0x0] =	sbarrier.arrive $0xFFFF  }
0x27: {  	[tilespmem:s3], [sflag:$0x2] =	stream.linear.gather [hbm4b:s24+s3], $0x80, $0x38;
	[tilespmem:$0x1D180] =	vst v63  }
0x28: {  	_ =	swait.ge [sflag:s18], $0x80  }
0x29: {  	[sflag:s18] =	ssyncset.done $0x0  }
0x2a: {  	s31 =	sadd.s32 $0x0, s15;
	[sflag:s18] =	ssyncadd.s32 $0xFFFFFF80  }
0x2b: {  	[tilespmem:s19], [sflag:$0x2] =	stream.linear.gather [hbm4b:s31+s3], $0x80, $0x38;
	[tilespmem:$0x1D180] =	vst v63  }
0x2c: {  	_ =	swait.ge [sflag:s18], $0x80  }
0x2d: {  	[sflag:s18] =	ssyncset.done $0x0  }
0x2e: {  	[sflag:s18] =	ssyncadd.s32 $0xFFFFFF80  }
0x2f: {  	v1 =	vld [tilespmem:$0x50]  }
0x30: {  	v2 =	vld [tilespmem:$0x30]  }
0x31: {  	v3 =	vld [tilespmem:$0x20]  }
0x32: {  	v4 =	vld [tilespmem:$0x10]  }
0x33: {  	v5 =	vld [tilespmem:$0x40]  }
0x34: {  	v6 =	vld [tilespmem:$0x0];
	v1 =	vshll.u32 v1, $0x1  }
0x35: {  	v7 =	vld [tilespmem:$0x60];
	v2 =	vshll.u32 v2, $0x1;
	v1 =	vor.u32 v0, v1  }
0x36: {  	v8 =	vld [tilespmem:$0x70];
	v3 =	vshll.u32 v3, $0x1;
	v2 =	vor.u32 v0, v2;
	[tilespmem:$0xD0] =	vst v1  }
0x37: {  	v3 =	vor.u32 v0, v3;
	v1 =	vshll.u32 v4, $0x1;
	[tilespmem:$0xB0] =	vst v2  }
0x38: {  	[tilespmem:$0xA0] =	vst v3;
	v2 =	vshll.u32 v5, $0x1;
	v1 =	vor.u32 v0, v1  }
0x39: {  	v3 =	vshll.u32 v6, $0x1;
	[tilespmem:$0x90] =	vst v1;
	v1 =	vor.u32 v0, v2  }
0x3a: {  	v2 =	vor.u32 v0, v3;
	[tilespmem:$0xC0] =	vst v1;
	v1 =	vshll.u32 v7, $0x1  }
0x3b: {  	s24 =	simm.s32 $0x10;
	[tilespmem:$0x80] =	vst v2;
	v2 =	vshll.u32 v8, $0x1;
	v1 =	vor.u32 v0, v1  }
.LBB2_2:
0x3c: {  	p0 =	sne.s32 s24, $0x9C0;
	[tilespmem:$0xE0] =	vst v1;
	v1 =	vor.u32 v0, v2;
	s25 =	smov.u32 s24;
	s24 =	sadd.s32 $0x10, s24  }
0x3d: {  	[tilespmem:$0xF0] =	vst v1  }
0x3e: {  	[tilespmem:s21], [sflag:$0x1] =	stream.indirect.gather [hbm4b:s4+s20], $0x80, s20, s20, $0xb8;
	[tilespmem:$0x1D180] =	vst v63  }
0x3f: {  	_ =	swait.ge [sflag:s22], $0x4000  }
0x40: {  	[sflag:s22] =	ssyncset.done $0x0  }
0x41: {  	[sflag:s22] =	ssyncadd.s32 $0xFFFFC000  }
0x42: {  	[spmem:s2] =	stream.indirect.scatter.add.f32 [tilespmem:s21], [sflag:$0x2], $0x80, s19, s20, $0xb8;
	[tilespmem:$0x1D180] =	vst v63  }
0x43: {  	s26 =	sadd.s32 s25, s16;
	_ =	swait.ge [sflag:s18], $0x4000  }
0x44: {  	[sflag:s18] =	ssyncset.done $0x0  }
0x45: {  	[sflag:s18] =	ssyncadd.s32 $0xFFFFC000  }
0x46: {  	[tilespmem:s3], [sflag:$0x2] =	stream.linear.gather [hbm4b:s26+s3], $0x80, $0x38;
	[tilespmem:$0x1D180] =	vst v63  }
0x47: {  	_ =	swait.ge [sflag:s18], $0x80  }
0x48: {  	[sflag:s18] =	ssyncset.done $0x0  }
0x49: {  	s25 =	sadd.s32 s25, s15;
	[sflag:s18] =	ssyncadd.s32 $0xFFFFFF80  }
0x4a: {  	[tilespmem:s19], [sflag:$0x2] =	stream.linear.gather [hbm4b:s25+s3], $0x80, $0x38;
	[tilespmem:$0x1D180] =	vst v63  }
0x4b: {  	_ =	swait.ge [sflag:s18], $0x80  }
0x4c: {  	[sflag:s18] =	ssyncset.done $0x0  }
0x4d: {  	[sflag:s18] =	ssyncadd.s32 $0xFFFFFF80  }
0x4e: {  	v1 =	vld [tilespmem:$0x50]  }
0x4f: {  	v2 =	vld [tilespmem:$0x30]  }
0x50: {  	v3 =	vld [tilespmem:$0x20]  }
0x51: {  	v4 =	vld [tilespmem:$0x10]  }
0x52: {  	v5 =	vld [tilespmem:$0x40]  }
0x53: {  	v6 =	vld [tilespmem:$0x0];
	v1 =	vshll.u32 v1, $0x1  }
0x54: {  	v2 =	vshll.u32 v2, $0x1;
	v1 =	vor.u32 v0, v1;
	v7 =	vld [tilespmem:$0x60]  }
0x55: {  	v3 =	vshll.u32 v3, $0x1;
	v2 =	vor.u32 v0, v2;
	[tilespmem:$0xD0] =	vst v1;
	v8 =	vld [tilespmem:$0x70]  }
.Ltmp0:
0x56: {  	v1 =	vshll.u32 v4, $0x1;
	v3 =	vor.u32 v0, v3;
	[tilespmem:$0xB0] =	vst v2;
	(pc) =	sbr.rel @p0 .LBB2_2-.Ltmp0, $4  }
0x57: {  	v1 =	vor.u32 v0, v1;
	[tilespmem:$0xA0] =	vst v3;
	v2 =	vshll.u32 v5, $0x1  }
0x58: {  	v3 =	vshll.u32 v6, $0x1;
	[tilespmem:$0x90] =	vst v1;
	v1 =	vor.u32 v0, v2  }
0x59: {  	v2 =	vor.u32 v0, v3;
	[tilespmem:$0xC0] =	vst v1;
	v1 =	vshll.u32 v7, $0x1  }
0x5a: {  	[tilespmem:$0x80] =	vst v2;
	v1 =	vor.u32 v0, v1;
	v2 =	vshll.u32 v8, $0x1  }
0x5b: {  	[tilespmem:$0xE0] =	vst v1;
	v1 =	vor.u32 v0, v2  }
0x5c: {  	[tilespmem:$0xF0] =	vst v1  }
0x5d: {  	[tilespmem:s21], [sflag:$0x1] =	stream.indirect.gather [hbm4b:s4+s20], $0x80, s20, s20, $0xb8;
	[tilespmem:$0x1D180] =	vst v63  }
0x5e: {  	_ =	swait.ge [sflag:s22], $0x4000  }
0x5f: {  	[sflag:s22] =	ssyncset.done $0x0  }
0x60: {  	[sflag:s22] =	ssyncadd.s32 $0xFFFFC000  }
0x61: {  	[spmem:s2] =	stream.indirect.scatter.add.f32 [tilespmem:s21], [sflag:$0x2], $0x80, s19, s20, $0xb8;
	[tilespmem:$0x1D180] =	vst v63  }
0x62: {  	_ =	swait.ge [sflag:s18], $0x4000  }
0x63: {  	[sflag:s18] =	ssyncset.done $0x0  }
0x64: {  	[sflag:s18] =	ssyncadd.s32 $0xFFFFC000  }
0x65: {  	[bflag:$0x0] =	sbarrier.arrive $0xFFFF  }
0x66: {  	[tilespmem:s17], [sflag:$0x2] =	stream.linear.gather [spmem:s6], $0x5000, $0x38;
	[tilespmem:$0x1D180] =	vst v63  }
0x67: {  	_ =	swait.ge [sflag:s18], $0x5000  }
0x68: {  	[sflag:s18] =	ssyncset.done $0x0  }
0x69: {  	[sflag:s18] =	ssyncadd.s32 $0xFFFFB000  }
0x6a: {  	[hbm4b:s10+s3] =	stream.linear.scatter [tilespmem:s17], [sflag:$0x2], $0x5000, $0x38;
	[tilespmem:$0x1D180] =	vst v63  }
0x6b: {  	_ =	swait.ge [sflag:s18], $0x5000  }
0x6c: {  	[sflag:s18] =	ssyncset.done $0x0  }
0x6d: {  	[sflag:s18] =	ssyncadd.s32 $0xFFFFB000  }
0x6e: {  	[tilespmem:s17], [sflag:$0x2] =	stream.linear.gather [spmem:s7], $0x5000, $0x38;
	[tilespmem:$0x1D180] =	vst v63  }
0x6f: {  	_ =	swait.ge [sflag:s18], $0x5000  }
0x70: {  	[sflag:s18] =	ssyncset.done $0x0  }
0x71: {  	[sflag:s18] =	ssyncadd.s32 $0xFFFFB000  }
0x72: {  	[hbm4b:s11+s3] =	stream.linear.scatter [tilespmem:s17], [sflag:$0x2], $0x5000, $0x38;
	[tilespmem:$0x1D180] =	vst v63  }
0x73: {  	_ =	swait.ge [sflag:s18], $0x5000  }
0x74: {  	[sflag:s18] =	ssyncset.done $0x0  }
0x75: {  	[sflag:s18] =	ssyncadd.s32 $0xFFFFB000  }
0x76: {  	[tilespmem:s17], [sflag:$0x2] =	stream.linear.gather [spmem:s8], $0x5000, $0x38;
	[tilespmem:$0x1D180] =	vst v63  }
0x77: {  	_ =	swait.ge [sflag:s18], $0x5000  }
0x78: {  	[sflag:s18] =	ssyncset.done $0x0  }
0x79: {  	[sflag:s18] =	ssyncadd.s32 $0xFFFFB000  }
0x7a: {  	[hbm4b:s12+s3] =	stream.linear.scatter [tilespmem:s17], [sflag:$0x2], $0x5000, $0x38;
	[tilespmem:$0x1D180] =	vst v63  }
0x7b: {  	_ =	swait.ge [sflag:s18], $0x5000  }
0x7c: {  	[sflag:s18] =	ssyncset.done $0x0  }
0x7d: {  	[sflag:s18] =	ssyncadd.s32 $0xFFFFB000  }
0x7e: {  	[tilespmem:s17], [sflag:$0x2] =	stream.linear.gather [spmem:s9], $0x5000, $0x38;
	[tilespmem:$0x1D180] =	vst v63  }
0x7f: {  	s23 =	sadd.s32 $0x1, s23;
	_ =	swait.ge [sflag:s18], $0x5000  }
0x80: {  	p0 =	sne.s32 s23, s14;
	[sflag:s18] =	ssyncset.done $0x0  }
.Ltmp1:
0x81: {  	[sflag:s18] =	ssyncadd.s32 $0xFFFFB000;
	(pc) =	sbr.rel @p0 .LBB2_1-.Ltmp1, $4  }
0x82: {  	[hbm4b:s13+s3] =	stream.linear.scatter [tilespmem:s17], [sflag:$0x2], $0x5000, $0x38;
	[tilespmem:$0x1D180] =	vst v63  }
0x83: {  	_ =	swait.ge [sflag:s18], $0x5000  }
0x84: {  	[sflag:s18] =	ssyncset.done $0x0  }
0x85: {  	[sflag:s18] =	ssyncadd.s32 $0xFFFFB000  }
0x86: {  	_ =	sfence.sel $0x180000  }
0x87: {  	[bflag:$0x0] =	sbarrier.arrive $0xFFFF  }
0x88: {  	p0 =	sne.s32 s1, $0x0;
	_ =	strace $0x90000047  }
0x89: {  	s0 =	sadd.s32 @!p0 $0x100000, s0;
	[bflag:$0x2] =	sbarrier.arrive $0xFFFF  }
0x8a: {  	[sflag:s0] =	ssyncadd.tile.s32 @!p0 $0x1;
	_ =	shalt  }
.Lfunc_end2:
_tile_overlayer_lowered:
.L_overlay_start_2:
0x8b: {  	(tag) =	ssettag $0x2  }
0x8c: {  	s0 =	rddreg [dreg:$0x0];
	s2 =	stileid.u32  }
0x8d: {  	s1 =	rddreg [dreg:$0x1];
	p0 =	sne.s32 s2, $0x0  }
0x8e: {  	s3 =	rddreg [dreg:$0x2];
	[bflag:$0x3] =	sbarrier.arrive $0xFFFF;
	s2 =	simm.s32 @!p0 $0x1C02  }
0x8f: {  	[timem:s3], [sflag:s2] =	dma.local @!p0 [hbm:s0], s1  }
0x90: {  	s0 =	simm.s32 @!p0 $0x2  }
0x91: {  	_ =	swait.ge @!p0 [sflag:s0], s1  }
0x92: {  	s1 =	ssub.s32 @!p0 $0x0, s1;
	[sflag:s0] =	ssyncset.done @!p0 $0x0  }
0x93: {  	[sflag:s0] =	ssyncadd.s32 @!p0 s1  }
0x94: {  	[bflag:$0x3] =	sbarrier.arrive $0xFFFF  }
0x95: {  	_ =	shalt  }

</sc_bundles>
